<compile_context>
chip_gen: v7x
topology: tpu7x:2x2x1
jax: 0.10.2.dev20260603
libtpu: 0.0.44.dev20260713+nightly
codegen_flags: <defaults>
</compile_context>

<pallas_src>
import functools
import math

import jax
import jax.numpy as jnp
from jax import lax
from jax.experimental import pallas as pl
from jax.experimental.pallas import tpu as pltpu
from jax.experimental.pallas import tpu_sc as plsc

D = 768
H = 12
DH = D // H
FF = 2048
E = 8
S = 2048

BT = 256
NB = 24
NROWS = NB * BT
NW = 32
TPW = S // NW

_SCALE = 1.0 / math.sqrt(DH)
_INV_SQRT2 = 1.0 / math.sqrt(2.0)


def _qkv_body(xq_ref, xkv_ref, wq_ref, bq_ref, wk_ref, bk_ref, wv_ref, bv_ref,
              q_ref, k_ref, v_ref):
    xq = xq_ref[...]
    xkv = xkv_ref[...]
    q_ref[...] = jnp.dot(xq, wq_ref[...],
                         preferred_element_type=jnp.float32) + bq_ref[...]
    k_ref[...] = jnp.dot(xkv, wk_ref[...],
                         preferred_element_type=jnp.float32) + bk_ref[...]
    v_ref[...] = jnp.dot(xkv, wv_ref[...],
                         preferred_element_type=jnp.float32) + bv_ref[...]


def _qkv(xq, xkv, wq, bq, wk, bk, wv, bv):
    shp = jax.ShapeDtypeStruct((S, D), jnp.float32)
    return pl.pallas_call(
        _qkv_body,
        out_shape=(shp, shp, shp),
    )(xq, xkv, wq, bq, wk, bk, wv, bv)


def _attn_body(q_ref, k_ref, v_ref, o_ref, *, causal, bq):
    qb = pl.program_id(0)
    if causal:
        row = qb * bq + jax.lax.broadcasted_iota(jnp.int32, (bq, S), 0)
        col = jax.lax.broadcasted_iota(jnp.int32, (bq, S), 1)
        keep = col <= row
    for h in range(H):
        sl = slice(h * DH, (h + 1) * DH)
        q = q_ref[:, sl]
        k = k_ref[:, sl]
        s = jax.lax.dot_general(q, k, (((1,), (1,)), ((), ())),
                                preferred_element_type=jnp.float32) * _SCALE
        if causal:
            s = jnp.where(keep, s, -jnp.inf)
        m = jnp.max(s, axis=-1, keepdims=True)
        p = jnp.exp(s - m)
        l = jnp.sum(p, axis=-1, keepdims=True)
        o_ref[:, sl] = jnp.dot(p / l, v_ref[:, sl],
                               preferred_element_type=jnp.float32)


def _attn(q, k, v, causal, bq=256):
    nq = S // bq
    return pl.pallas_call(
        functools.partial(_attn_body, causal=causal, bq=bq),
        grid=(nq,),
        in_specs=[
            pl.BlockSpec((bq, D), lambda t: (t, 0)),
            pl.BlockSpec((S, D), lambda t: (0, 0)),
            pl.BlockSpec((S, D), lambda t: (0, 0)),
        ],
        out_specs=pl.BlockSpec((bq, D), lambda t: (t, 0)),
        out_shape=jax.ShapeDtypeStruct((S, D), jnp.float32),
        compiler_params=pltpu.CompilerParams(
            dimension_semantics=("arbitrary",)),
    )(q, k, v)


def _proj_ln_body(a_ref, w_ref, b_ref, r_ref, g_ref, gb_ref, o_ref):
    y = jnp.dot(a_ref[...], w_ref[...], preferred_element_type=jnp.float32)
    y = y + b_ref[...] + r_ref[...]
    m = jnp.mean(y, axis=-1, keepdims=True)
    c = y - m
    var = jnp.mean(c * c, axis=-1, keepdims=True)
    o_ref[...] = c * jax.lax.rsqrt(var + 1e-5) * g_ref[...] + gb_ref[...]


def _proj_ln(a, w, b, resid, g, gb):
    return pl.pallas_call(
        _proj_ln_body,
        out_shape=jax.ShapeDtypeStruct((S, D), jnp.float32),
    )(a, w, b, resid, g, gb)


def _router_body(x_ref, w_ref, b_ref,
                 d1_ref, d2_ref, w1_ref, w2_ref, be_ref, bv_ref):
    lg = jnp.dot(x_ref[...], w_ref[...], preferred_element_type=jnp.float32)
    lg = lg + b_ref[...]
    lane = jax.lax.broadcasted_iota(jnp.int32, (S, E), 1)
    m1 = jnp.max(lg, axis=-1, keepdims=True)
    i1 = jnp.min(jnp.where(lg == m1, lane, E), axis=-1, keepdims=True)
    mask1 = lane == i1
    lgm = jnp.where(mask1, -jnp.inf, lg)
    m2 = jnp.max(lgm, axis=-1, keepdims=True)
    i2 = jnp.min(jnp.where(lgm == m2, lane, E), axis=-1, keepdims=True)
    mask2 = lane == i2
    ex = jnp.exp(lg - m1)
    z = jnp.sum(ex, axis=-1, keepdims=True)
    p = ex / z
    v1 = jnp.sum(jnp.where(mask1, p, 0.0), axis=-1, keepdims=True)
    v2 = jnp.sum(jnp.where(mask2, p, 0.0), axis=-1, keepdims=True)
    e2 = jnp.exp(v2 - v1)
    w1_ref[...] = 1.0 / (1.0 + e2)
    w2_ref[...] = e2 / (1.0 + e2)

    occ = jnp.where(mask1 | mask2, 1.0, 0.0)
    r_i = jax.lax.broadcasted_iota(jnp.int32, (S, S), 0)
    c_i = jax.lax.broadcasted_iota(jnp.int32, (S, S), 1)
    tril = jnp.where(r_i > c_i, 1.0, 0.0)
    rank = jnp.dot(tril, occ, preferred_element_type=jnp.float32)
    counts = jnp.sum(occ, axis=0, keepdims=True)
    cpad = jnp.floor((counts + (BT - 1.0)) * (1.0 / BT)) * BT
    base = jnp.zeros((1, E), jnp.float32)
    for k in range(1, E):
        shifted = jnp.concatenate(
            [jnp.zeros((1, k), jnp.float32), cpad[:, :E - k]], axis=1)
        base = base + shifted
    dest = base + rank
    d1 = jnp.sum(jnp.where(mask1, dest, 0.0), axis=-1, keepdims=True)
    d2 = jnp.sum(jnp.where(mask2, dest, 0.0), axis=-1, keepdims=True)
    d1_ref[...] = d1.astype(jnp.int32)
    d2_ref[...] = d2.astype(jnp.int32)

    bi = jax.lax.broadcasted_iota(jnp.int32, (NB, E), 0).astype(jnp.float32) * BT
    ei = jax.lax.broadcasted_iota(jnp.int32, (NB, E), 1)
    inb = (bi >= base) & (bi < base + cpad)
    blk_e = jnp.sum(jnp.where(inb, ei, 0), axis=-1, keepdims=True)
    blk_v = jnp.sum(jnp.where(inb, 1, 0), axis=-1, keepdims=True)
    lastexp = jnp.max(jnp.where(inb, ei, 0))
    be_ref[...] = jnp.where(blk_v > 0, blk_e, lastexp).astype(jnp.int32)
    bv_ref[...] = blk_v.astype(jnp.int32)


def _router(x, w, b):
    f32 = jnp.float32
    i32 = jnp.int32
    return pl.pallas_call(
        _router_body,
        out_shape=(
            jax.ShapeDtypeStruct((S, 1), i32),
            jax.ShapeDtypeStruct((S, 1), i32),
            jax.ShapeDtypeStruct((S, 1), f32),
            jax.ShapeDtypeStruct((S, 1), f32),
            jax.ShapeDtypeStruct((NB, 1), i32),
            jax.ShapeDtypeStruct((NB, 1), i32),
        ),
    )(x, w, b)


def _sc_mesh():
    return plsc.VectorSubcoreMesh(core_axis_name="c", subcore_axis_name="s",
                                  num_cores=2, num_subcores=16)


def _sc_dispatch_body(x2_hbm, d1_hbm, d2_hbm, xdisp_hbm, dvec, rows, sem):
    wid = lax.axis_index("s") * 2 + lax.axis_index("c")
    base = wid * TPW
    pltpu.sync_copy(x2_hbm.at[pl.ds(base, TPW)], rows)
    pltpu.sync_copy(d1_hbm.at[wid], dvec)
    pltpu.async_copy(rows, xdisp_hbm.at[dvec], sem).wait()
    pltpu.sync_copy(d2_hbm.at[wid], dvec)
    pltpu.async_copy(rows, xdisp_hbm.at[dvec], sem).wait()


def _sc_dispatch(x2, d1r, d2r):
    fn = pl.kernel(
        _sc_dispatch_body,
        out_type=jax.ShapeDtypeStruct((NROWS, D), jnp.float32),
        mesh=_sc_mesh(),
        scratch_types=[
            pltpu.VMEM((TPW,), jnp.int32),
            pltpu.VMEM((TPW, D), jnp.float32),
            pltpu.SemaphoreType.DMA,
        ],
    )
    return fn(x2, d1r, d2r)


def _sc_combine_body(y_hbm, d1_hbm, d2_hbm, y1_hbm, y2_hbm, dvec, rows, sem):
    wid = lax.axis_index("s") * 2 + lax.axis_index("c")
    base = wid * TPW
    pltpu.sync_copy(d1_hbm.at[wid], dvec)
    pltpu.async_copy(y_hbm.at[dvec], rows, sem).wait()
    pltpu.sync_copy(rows, y1_hbm.at[pl.ds(base, TPW)])
    pltpu.sync_copy(d2_hbm.at[wid], dvec)
    pltpu.async_copy(y_hbm.at[dvec], rows, sem).wait()
    pltpu.sync_copy(rows, y2_hbm.at[pl.ds(base, TPW)])


def _sc_combine(y, d1r, d2r):
    fn = pl.kernel(
        _sc_combine_body,
        out_type=(jax.ShapeDtypeStruct((S, D), jnp.float32),
                  jax.ShapeDtypeStruct((S, D), jnp.float32)),
        mesh=_sc_mesh(),
        scratch_types=[
            pltpu.VMEM((TPW,), jnp.int32),
            pltpu.VMEM((TPW, D), jnp.float32),
            pltpu.SemaphoreType.DMA,
        ],
    )
    return fn(y, d1r, d2r)


def _gmm_body(be_ref, bv_ref, x_ref, w1_ref, b1_ref, w2_ref, b2_ref, o_ref):
    i = pl.program_id(0)

    @pl.when(bv_ref[i] != 0)
    def _():
        h = jnp.dot(x_ref[...], w1_ref[0],
                    preferred_element_type=jnp.float32) + b1_ref[0]
        h = 0.5 * h * (1.0 + jax.lax.erf(h * _INV_SQRT2))
        o_ref[...] = jnp.dot(h, w2_ref[0],
                             preferred_element_type=jnp.float32) + b2_ref[0]


def _gmm(xdisp, blk_e, blk_v, w1, b1, w2, b2):
    grid_spec = pltpu.PrefetchScalarGridSpec(
        num_scalar_prefetch=2,
        grid=(NB,),
        in_specs=[
            pl.BlockSpec((BT, D), lambda i, be, bv: (i, 0)),
            pl.BlockSpec((1, D, FF), lambda i, be, bv: (be[i], 0, 0)),
            pl.BlockSpec((1, 1, FF), lambda i, be, bv: (be[i], 0, 0)),
            pl.BlockSpec((1, FF, D), lambda i, be, bv: (be[i], 0, 0)),
            pl.BlockSpec((1, 1, D), lambda i, be, bv: (be[i], 0, 0)),
        ],
        out_specs=pl.BlockSpec((BT, D), lambda i, be, bv: (i, 0)),
    )
    return pl.pallas_call(
        _gmm_body,
        grid_spec=grid_spec,
        out_shape=jax.ShapeDtypeStruct((NROWS, D), jnp.float32),
        compiler_params=pltpu.CompilerParams(
            dimension_semantics=("arbitrary",)),
    )(blk_e, blk_v, xdisp, w1, b1.reshape(E, 1, FF), w2, b2.reshape(E, 1, D))


def _combine_ln_body(x_ref, y1_ref, y2_ref, w1_ref, w2_ref, g_ref, b_ref,
                     o_ref):
    yy = x_ref[...] + w1_ref[...] * y1_ref[...] + w2_ref[...] * y2_ref[...]
    m = jnp.mean(yy, axis=-1, keepdims=True)
    c = yy - m
    var = jnp.mean(c * c, axis=-1, keepdims=True)
    o_ref[...] = c * jax.lax.rsqrt(var + 1e-5) * g_ref[...] + b_ref[...]


def _combine_ln(x2, y1, y2, w1, w2, g3, b3):
    return pl.pallas_call(
        _combine_ln_body,
        out_shape=jax.ShapeDtypeStruct((S, D), jnp.float32),
    )(x2, y1, y2, w1, w2, g3.reshape(1, D), b3.reshape(1, D))


def kernel(x, encoder_output, params):
    p = params
    x0 = x[0]
    enc = encoder_output[0]

    q, k, v = _qkv(x0, x0, p['sa_q_w'], p['sa_q_b'], p['sa_k_w'], p['sa_k_b'],
                   p['sa_v_w'], p['sa_v_b'])
    sa = _attn(q, k, v, causal=True)
    x1 = _proj_ln(sa, p['sa_o_w'], p['sa_o_b'], x0, p['ln1_g'], p['ln1_b'])

    q, k, v = _qkv(x1, enc, p['ca_q_w'], p['ca_q_b'], p['ca_k_w'], p['ca_k_b'],
                   p['ca_v_w'], p['ca_v_b'])
    ca = _attn(q, k, v, causal=False)
    x2 = _proj_ln(ca, p['ca_o_w'], p['ca_o_b'], x1, p['ln2_g'], p['ln2_b'])

    d1, d2, wt1, wt2, be, bv = _router(x2, p['router_w'], p['router_b'])
    d1r = d1.reshape(NW, TPW)
    d2r = d2.reshape(NW, TPW)
    xdisp = _sc_dispatch(x2, d1r, d2r)
    ydisp = _gmm(xdisp, be.reshape(NB), bv.reshape(NB),
                 p['moe_w1'], p['moe_b1'], p['moe_w2'], p['moe_b2'])
    y1, y2 = _sc_combine(ydisp, d1r, d2r)
    out = _combine_ln(x2, y1, y2, wt1, wt2, p['ln3_g'], p['ln3_b'])
    return out[None]

# --- scband reference (transcript-rebuilt; emitter-appended) ---
"""Pipeline reference for scband-transformer-decoder-layer-3229815407334 (READ-ONLY COPY).

The authoritative reference and input builder live on the scoring server;
editing this copy changes nothing except your own understanding.
"""

import jax, jax.numpy as jnp
import numpy as np
import math

D = 768
H = 12
DH = D // H
FF = 2048
E = 8
TOPK = 2
B = 1
S = 2048


def setup_inputs(seed: int = 0) -> dict:
    key = jax.random.key(seed)
    ks = jax.random.split(key, 40)

    def lin(k, i, o):
        return jax.random.normal(k, (i, o), jnp.float32) * 0.02

    params = {
        'sa_q_w': lin(ks[0], D, D), 'sa_q_b': jnp.zeros((D,), jnp.float32),
        'sa_k_w': lin(ks[1], D, D), 'sa_k_b': jnp.zeros((D,), jnp.float32),
        'sa_v_w': lin(ks[2], D, D), 'sa_v_b': jnp.zeros((D,), jnp.float32),
        'sa_o_w': lin(ks[3], D, D), 'sa_o_b': jnp.zeros((D,), jnp.float32),
        'ca_q_w': lin(ks[4], D, D), 'ca_q_b': jnp.zeros((D,), jnp.float32),
        'ca_k_w': lin(ks[5], D, D), 'ca_k_b': jnp.zeros((D,), jnp.float32),
        'ca_v_w': lin(ks[6], D, D), 'ca_v_b': jnp.zeros((D,), jnp.float32),
        'ca_o_w': lin(ks[7], D, D), 'ca_o_b': jnp.zeros((D,), jnp.float32),
        'moe_w1': jax.random.normal(ks[8], (E, D, FF), jnp.float32) * 0.02,
        'moe_b1': jnp.zeros((E, FF), jnp.float32),
        'moe_w2': jax.random.normal(ks[9], (E, FF, D), jnp.float32) * 0.02,
        'moe_b2': jnp.zeros((E, D), jnp.float32),
        'router_w': lin(ks[10], D, E), 'router_b': jnp.zeros((E,), jnp.float32),
        'ln1_g': jnp.ones((D,), jnp.float32), 'ln1_b': jnp.zeros((D,), jnp.float32),
        'ln2_g': jnp.ones((D,), jnp.float32), 'ln2_b': jnp.zeros((D,), jnp.float32),
        'ln3_g': jnp.ones((D,), jnp.float32), 'ln3_b': jnp.zeros((D,), jnp.float32),
    }
    x = jax.random.normal(ks[30], (B, S, D), jnp.float32)
    encoder_output = jax.random.normal(ks[31], (B, S, D), jnp.float32)
    return {'x': x, 'encoder_output': encoder_output, 'params': params}


def _layernorm(x, g, b):
    m = jnp.mean(x, axis=-1, keepdims=True)
    v = jnp.mean((x - m) ** 2, axis=-1, keepdims=True)
    return (x - m) / jnp.sqrt(v + 1e-5) * g + b


def _mha(q_in, k_in, v_in, wq, bq, wk, bk, wv, bv, wo, bo, causal):
    Bq, Sq, _ = q_in.shape
    Sk = k_in.shape[1]
    Q = (q_in @ wq + bq).reshape(Bq, Sq, H, DH).transpose(0, 2, 1, 3)
    K = (k_in @ wk + bk).reshape(Bq, Sk, H, DH).transpose(0, 2, 1, 3)
    V = (v_in @ wv + bv).reshape(Bq, Sk, H, DH).transpose(0, 2, 1, 3)
    scores = jnp.matmul(Q, K.transpose(0, 1, 3, 2)) / math.sqrt(DH)
    if causal:
        mask = jnp.tril(jnp.ones((Sq, Sk), jnp.float32))[None, None, :, :]
        scores = jnp.where(mask == 0, -jnp.inf, scores)
    w = jax.nn.softmax(scores, axis=-1)
    out = jnp.matmul(w, V).transpose(0, 2, 1, 3).reshape(Bq, Sq, D)
    return out @ wo + bo


def _moe(x, p):
    Bx, Sx, _ = x.shape
    xf = x.reshape(-1, D)
    logits = xf @ p['router_w'] + p['router_b']
    rw = jax.nn.softmax(logits, axis=-1)
    topw, topi = jax.lax.top_k(rw, TOPK)
    topw = jax.nn.softmax(topw, axis=-1)
    # dense expert compute, then gather selected experts per token (same math
    # as the torch masked loop: unselected experts get weight 0)
    h = jnp.einsum('td,edf->tef', xf, p['moe_w1']) + p['moe_b1'][None, :, :]
    h = jax.nn.gelu(h, approximate=False)
    y = jnp.einsum('tef,efd->ted', h, p['moe_w2']) + p['moe_b2'][None, :, :]
    ysel = jnp.take_along_axis(y, topi[:, :, None], axis=1)
    out = jnp.sum(topw[:, :, None] * ysel, axis=1)
    return out.reshape(Bx, Sx, D)


def reference(x, encoder_output, params):
    p = params
    attn_out = _mha(x, x, x, p['sa_q_w'], p['sa_q_b'], p['sa_k_w'], p['sa_k_b'],
                    p['sa_v_w'], p['sa_v_b'], p['sa_o_w'], p['sa_o_b'], causal=True)
    x = _layernorm(x + attn_out, p['ln1_g'], p['ln1_b'])
    ca_out = _mha(x, encoder_output, encoder_output,
                  p['ca_q_w'], p['ca_q_b'], p['ca_k_w'], p['ca_k_b'],
                  p['ca_v_w'], p['ca_v_b'], p['ca_o_w'], p['ca_o_b'], causal=False)
    x = _layernorm(x + ca_out, p['ln2_g'], p['ln2_b'])
    moe_out = _moe(x, p)
    x = _layernorm(x + moe_out, p['ln3_g'], p['ln3_b'])
    return x

if __name__ == "__main__":
    import jax
    _d = setup_inputs()
    print(jax.jit(kernel)(*tuple(_d.values())))

</pallas_src>

<mosaic_0001>
#map = affine_map<(d0, d1) -> (0, 0)>
module attributes {stable_mosaic.version = 14 : i64} {
  func.func @_sc_combine_body(%arg0: i32, %arg1: i32, %arg2: memref<6144x768xf32, #tpu.memory_space<hbm>>, %arg3: memref<32x64xi32, #tpu.memory_space<hbm>>, %arg4: memref<32x64xi32, #tpu.memory_space<hbm>>, %arg5: memref<2048x768xf32, #tpu.memory_space<hbm>>, %arg6: memref<2048x768xf32, #tpu.memory_space<hbm>>, %arg7: memref<64xi32, #tpu.memory_space<vmem>>, %arg8: memref<64x768xf32, #tpu.memory_space<vmem>>, %arg9: memref<!tpu.dma_semaphore, #tpu.memory_space<semaphore_mem>>) attributes {dimension_semantics = [#tpu.dimension_semantics<core_parallel>, #tpu.dimension_semantics<subcore_parallel>], iteration_bounds = array<i64: 2, 16>, scalar_prefetch = 0 : i64, scratch_operands = 3 : i64, tpu.core_type = #tpu.core_type<sc_vector_subcore>, window_params = [{transform_indices = #map}, {transform_indices = #map}, {transform_indices = #map}, {transform_indices = #map}, {transform_indices = #map}]} {
    %mul3A = arith.constant 2 : i32
    %mul3A_0 = arith.muli %arg1, %mul3A : i32
    %add3A = arith.addi %mul3A_0, %arg0 : i32
    %mul3A_1 = arith.constant 64 : i32
    %mul3A_2 = arith.muli %add3A, %mul3A_1 : i32
    "tpu.region"() ({
      %run_scoped3A = tpu.sem_alloc : memref<!tpu.dma_semaphore, #tpu.memory_space<semaphore_mem>>
      %dma_start3A_13 = arith.constant 0 : i32
      %dma_start3A_14 = tpu.memref_slice %arg3[%add3A, %dma_start3A_13] : memref<32x64xi32, #tpu.memory_space<hbm>> -> memref<1x64xi32, #tpu.memory_space<hbm>>
      %dma_start3A_15 = tpu.memref_squeeze %dma_start3A_14 : memref<1x64xi32, #tpu.memory_space<hbm>> -> memref<64xi32, #tpu.memory_space<hbm>>
      %dma_start3A_16 = arith.constant 0 : i32
      %dma_start3A_17 = tpu.memref_slice %arg3[%add3A, %dma_start3A_16] : memref<32x64xi32, #tpu.memory_space<hbm>> -> memref<1x64xi32, #tpu.memory_space<hbm>>
      %dma_start3A_18 = tpu.memref_squeeze %dma_start3A_17 : memref<1x64xi32, #tpu.memory_space<hbm>> -> memref<64xi32, #tpu.memory_space<hbm>>
      tpu.enqueue_dma source(%dma_start3A_18 : memref<64xi32, #tpu.memory_space<hbm>>) target(%arg7 : memref<64xi32, #tpu.memory_space<vmem>>) target_semaphore(%run_scoped3A : memref<!tpu.dma_semaphore, #tpu.memory_space<semaphore_mem>>)
      %dma_wait3A_19 = arith.constant 0 : i32
      %dma_wait3A_20 = tpu.memref_slice %arg3[%add3A, %dma_wait3A_19] : memref<32x64xi32, #tpu.memory_space<hbm>> -> memref<1x64xi32, #tpu.memory_space<hbm>>
      %dma_wait3A_21 = tpu.memref_squeeze %dma_wait3A_20 : memref<1x64xi32, #tpu.memory_space<hbm>> -> memref<64xi32, #tpu.memory_space<hbm>>
      %dma_wait3A_22 = arith.constant 0 : i32
      %dma_wait3A_23 = tpu.memref_slice %arg3[%add3A, %dma_wait3A_22] : memref<32x64xi32, #tpu.memory_space<hbm>> -> memref<1x64xi32, #tpu.memory_space<hbm>>
      %dma_wait3A_24 = tpu.memref_squeeze %dma_wait3A_23 : memref<1x64xi32, #tpu.memory_space<hbm>> -> memref<64xi32, #tpu.memory_space<hbm>>
      tpu.wait_dma2 semaphore(%run_scoped3A : memref<!tpu.dma_semaphore, #tpu.memory_space<semaphore_mem>>) src(%dma_wait3A_24 : memref<64xi32, #tpu.memory_space<hbm>>) dst(%arg7 : memref<64xi32, #tpu.memory_space<vmem>>)
      tpu.yield
    }) : () -> ()
    %dma_start3A = arith.constant 0 : i32
    %dma_start3A_3 = arith.constant 0 : i32
    %dma_start3A_4 = tpu.memref_slice %arg2[%dma_start3A, %dma_start3A_3] : memref<6144x768xf32, #tpu.memory_space<hbm>> -> memref<6144x768xf32, #tpu.memory_space<hbm>>
    tpu.enqueue_indirect_dma source(%dma_start3A_4 : memref<6144x768xf32, #tpu.memory_space<hbm>>) target(%arg8 : memref<64x768xf32, #tpu.memory_space<vmem>>) offsets(%arg7 : memref<64xi32, #tpu.memory_space<vmem>>) semaphore(%arg9 : memref<!tpu.dma_semaphore, #tpu.memory_space<semaphore_mem>>)
    %dma_wait3A = arith.constant 0 : i32
    %dma_wait3A_5 = arith.constant 0 : i32
    %dma_wait3A_6 = tpu.memref_slice %arg2[%dma_wait3A, %dma_wait3A_5] : memref<6144x768xf32, #tpu.memory_space<hbm>> -> memref<6144x768xf32, #tpu.memory_space<hbm>>
    tpu.wait_indirect_dma semaphore(%arg9 : memref<!tpu.dma_semaphore, #tpu.memory_space<semaphore_mem>>) src(%dma_wait3A_6 : memref<6144x768xf32, #tpu.memory_space<hbm>>) dst(%arg8 : memref<64x768xf32, #tpu.memory_space<vmem>>)
    "tpu.region"() ({
      %run_scoped3A = tpu.sem_alloc : memref<!tpu.dma_semaphore, #tpu.memory_space<semaphore_mem>>
      %dma_start3A_13 = arith.constant 0 : i32
      %dma_start3A_14 = tpu.memref_slice %arg5[%mul3A_2, %dma_start3A_13] : memref<2048x768xf32, #tpu.memory_space<hbm>> -> memref<64x768xf32, #tpu.memory_space<hbm>>
      %dma_start3A_15 = arith.constant 0 : i32
      %dma_start3A_16 = tpu.memref_slice %arg5[%mul3A_2, %dma_start3A_15] : memref<2048x768xf32, #tpu.memory_space<hbm>> -> memref<64x768xf32, #tpu.memory_space<hbm>>
      tpu.enqueue_dma source(%arg8 : memref<64x768xf32, #tpu.memory_space<vmem>>) target(%dma_start3A_16 : memref<64x768xf32, #tpu.memory_space<hbm>>) target_semaphore(%run_scoped3A : memref<!tpu.dma_semaphore, #tpu.memory_space<semaphore_mem>>)
      %dma_wait3A_17 = arith.constant 0 : i32
      %dma_wait3A_18 = tpu.memref_slice %arg5[%mul3A_2, %dma_wait3A_17] : memref<2048x768xf32, #tpu.memory_space<hbm>> -> memref<64x768xf32, #tpu.memory_space<hbm>>
      %dma_wait3A_19 = arith.constant 0 : i32
      %dma_wait3A_20 = tpu.memref_slice %arg5[%mul3A_2, %dma_wait3A_19] : memref<2048x768xf32, #tpu.memory_space<hbm>> -> memref<64x768xf32, #tpu.memory_space<hbm>>
      tpu.wait_dma2 semaphore(%run_scoped3A : memref<!tpu.dma_semaphore, #tpu.memory_space<semaphore_mem>>) src(%arg8 : memref<64x768xf32, #tpu.memory_space<vmem>>) dst(%dma_wait3A_20 : memref<64x768xf32, #tpu.memory_space<hbm>>)
      tpu.yield
    }) : () -> ()
    "tpu.region"() ({
      %run_scoped3A = tpu.sem_alloc : memref<!tpu.dma_semaphore, #tpu.memory_space<semaphore_mem>>
      %dma_start3A_13 = arith.constant 0 : i32
      %dma_start3A_14 = tpu.memref_slice %arg4[%add3A, %dma_start3A_13] : memref<32x64xi32, #tpu.memory_space<hbm>> -> memref<1x64xi32, #tpu.memory_space<hbm>>
      %dma_start3A_15 = tpu.memref_squeeze %dma_start3A_14 : memref<1x64xi32, #tpu.memory_space<hbm>> -> memref<64xi32, #tpu.memory_space<hbm>>
      %dma_start3A_16 = arith.constant 0 : i32
      %dma_start3A_17 = tpu.memref_slice %arg4[%add3A, %dma_start3A_16] : memref<32x64xi32, #tpu.memory_space<hbm>> -> memref<1x64xi32, #tpu.memory_space<hbm>>
      %dma_start3A_18 = tpu.memref_squeeze %dma_start3A_17 : memref<1x64xi32, #tpu.memory_space<hbm>> -> memref<64xi32, #tpu.memory_space<hbm>>
      tpu.enqueue_dma source(%dma_start3A_18 : memref<64xi32, #tpu.memory_space<hbm>>) target(%arg7 : memref<64xi32, #tpu.memory_space<vmem>>) target_semaphore(%run_scoped3A : memref<!tpu.dma_semaphore, #tpu.memory_space<semaphore_mem>>)
      %dma_wait3A_19 = arith.constant 0 : i32
      %dma_wait3A_20 = tpu.memref_slice %arg4[%add3A, %dma_wait3A_19] : memref<32x64xi32, #tpu.memory_space<hbm>> -> memref<1x64xi32, #tpu.memory_space<hbm>>
      %dma_wait3A_21 = tpu.memref_squeeze %dma_wait3A_20 : memref<1x64xi32, #tpu.memory_space<hbm>> -> memref<64xi32, #tpu.memory_space<hbm>>
      %dma_wait3A_22 = arith.constant 0 : i32
      %dma_wait3A_23 = tpu.memref_slice %arg4[%add3A, %dma_wait3A_22] : memref<32x64xi32, #tpu.memory_space<hbm>> -> memref<1x64xi32, #tpu.memory_space<hbm>>
      %dma_wait3A_24 = tpu.memref_squeeze %dma_wait3A_23 : memref<1x64xi32, #tpu.memory_space<hbm>> -> memref<64xi32, #tpu.memory_space<hbm>>
      tpu.wait_dma2 semaphore(%run_scoped3A : memref<!tpu.dma_semaphore, #tpu.memory_space<semaphore_mem>>) src(%dma_wait3A_24 : memref<64xi32, #tpu.memory_space<hbm>>) dst(%arg7 : memref<64xi32, #tpu.memory_space<vmem>>)
      tpu.yield
    }) : () -> ()
    %dma_start3A_7 = arith.constant 0 : i32
    %dma_start3A_8 = arith.constant 0 : i32
    %dma_start3A_9 = tpu.memref_slice %arg2[%dma_start3A_7, %dma_start3A_8] : memref<6144x768xf32, #tpu.memory_space<hbm>> -> memref<6144x768xf32, #tpu.memory_space<hbm>>
    tpu.enqueue_indirect_dma source(%dma_start3A_9 : memref<6144x768xf32, #tpu.memory_space<hbm>>) target(%arg8 : memref<64x768xf32, #tpu.memory_space<vmem>>) offsets(%arg7 : memref<64xi32, #tpu.memory_space<vmem>>) semaphore(%arg9 : memref<!tpu.dma_semaphore, #tpu.memory_space<semaphore_mem>>)
    %dma_wait3A_10 = arith.constant 0 : i32
    %dma_wait3A_11 = arith.constant 0 : i32
    %dma_wait3A_12 = tpu.memref_slice %arg2[%dma_wait3A_10, %dma_wait3A_11] : memref<6144x768xf32, #tpu.memory_space<hbm>> -> memref<6144x768xf32, #tpu.memory_space<hbm>>
    tpu.wait_indirect_dma semaphore(%arg9 : memref<!tpu.dma_semaphore, #tpu.memory_space<semaphore_mem>>) src(%dma_wait3A_12 : memref<6144x768xf32, #tpu.memory_space<hbm>>) dst(%arg8 : memref<64x768xf32, #tpu.memory_space<vmem>>)
    "tpu.region"() ({
      %run_scoped3A = tpu.sem_alloc : memref<!tpu.dma_semaphore, #tpu.memory_space<semaphore_mem>>
      %dma_start3A_13 = arith.constant 0 : i32
      %dma_start3A_14 = tpu.memref_slice %arg6[%mul3A_2, %dma_start3A_13] : memref<2048x768xf32, #tpu.memory_space<hbm>> -> memref<64x768xf32, #tpu.memory_space<hbm>>
      %dma_start3A_15 = arith.constant 0 : i32
      %dma_start3A_16 = tpu.memref_slice %arg6[%mul3A_2, %dma_start3A_15] : memref<2048x768xf32, #tpu.memory_space<hbm>> -> memref<64x768xf32, #tpu.memory_space<hbm>>
      tpu.enqueue_dma source(%arg8 : memref<64x768xf32, #tpu.memory_space<vmem>>) target(%dma_start3A_16 : memref<64x768xf32, #tpu.memory_space<hbm>>) target_semaphore(%run_scoped3A : memref<!tpu.dma_semaphore, #tpu.memory_space<semaphore_mem>>)
      %dma_wait3A_17 = arith.constant 0 : i32
      %dma_wait3A_18 = tpu.memref_slice %arg6[%mul3A_2, %dma_wait3A_17] : memref<2048x768xf32, #tpu.memory_space<hbm>> -> memref<64x768xf32, #tpu.memory_space<hbm>>
      %dma_wait3A_19 = arith.constant 0 : i32
      %dma_wait3A_20 = tpu.memref_slice %arg6[%mul3A_2, %dma_wait3A_19] : memref<2048x768xf32, #tpu.memory_space<hbm>> -> memref<64x768xf32, #tpu.memory_space<hbm>>
      tpu.wait_dma2 semaphore(%run_scoped3A : memref<!tpu.dma_semaphore, #tpu.memory_space<semaphore_mem>>) src(%arg8 : memref<64x768xf32, #tpu.memory_space<vmem>>) dst(%dma_wait3A_20 : memref<64x768xf32, #tpu.memory_space<hbm>>)
      tpu.yield
    }) : () -> ()
    return
  }
}

#map = affine_map<(d0, d1) -> (0, 0)>
module attributes {stable_mosaic.version = 14 : i64} {
  func.func @_sc_dispatch_body(%arg0: i32, %arg1: i32, %arg2: memref<2048x768xf32, #tpu.memory_space<hbm>>, %arg3: memref<32x64xi32, #tpu.memory_space<hbm>>, %arg4: memref<32x64xi32, #tpu.memory_space<hbm>>, %arg5: memref<6144x768xf32, #tpu.memory_space<hbm>>, %arg6: memref<64xi32, #tpu.memory_space<vmem>>, %arg7: memref<64x768xf32, #tpu.memory_space<vmem>>, %arg8: memref<!tpu.dma_semaphore, #tpu.memory_space<semaphore_mem>>) attributes {dimension_semantics = [#tpu.dimension_semantics<core_parallel>, #tpu.dimension_semantics<subcore_parallel>], iteration_bounds = array<i64: 2, 16>, scalar_prefetch = 0 : i64, scratch_operands = 3 : i64, tpu.core_type = #tpu.core_type<sc_vector_subcore>, window_params = [{transform_indices = #map}, {transform_indices = #map}, {transform_indices = #map}, {transform_indices = #map}]} {
    %mul3A = arith.constant 2 : i32
    %mul3A_0 = arith.muli %arg1, %mul3A : i32
    %add3A = arith.addi %mul3A_0, %arg0 : i32
    %mul3A_1 = arith.constant 64 : i32
    %mul3A_2 = arith.muli %add3A, %mul3A_1 : i32
    "tpu.region"() ({
      %run_scoped3A = tpu.sem_alloc : memref<!tpu.dma_semaphore, #tpu.memory_space<semaphore_mem>>
      %dma_start3A_13 = arith.constant 0 : i32
      %dma_start3A_14 = tpu.memref_slice %arg2[%mul3A_2, %dma_start3A_13] : memref<2048x768xf32, #tpu.memory_space<hbm>> -> memref<64x768xf32, #tpu.memory_space<hbm>>
      %dma_start3A_15 = arith.constant 0 : i32
      %dma_start3A_16 = tpu.memref_slice %arg2[%mul3A_2, %dma_start3A_15] : memref<2048x768xf32, #tpu.memory_space<hbm>> -> memref<64x768xf32, #tpu.memory_space<hbm>>
      tpu.enqueue_dma source(%dma_start3A_16 : memref<64x768xf32, #tpu.memory_space<hbm>>) target(%arg7 : memref<64x768xf32, #tpu.memory_space<vmem>>) target_semaphore(%run_scoped3A : memref<!tpu.dma_semaphore, #tpu.memory_space<semaphore_mem>>)
      %dma_wait3A_17 = arith.constant 0 : i32
      %dma_wait3A_18 = tpu.memref_slice %arg2[%mul3A_2, %dma_wait3A_17] : memref<2048x768xf32, #tpu.memory_space<hbm>> -> memref<64x768xf32, #tpu.memory_space<hbm>>
      %dma_wait3A_19 = arith.constant 0 : i32
      %dma_wait3A_20 = tpu.memref_slice %arg2[%mul3A_2, %dma_wait3A_19] : memref<2048x768xf32, #tpu.memory_space<hbm>> -> memref<64x768xf32, #tpu.memory_space<hbm>>
      tpu.wait_dma2 semaphore(%run_scoped3A : memref<!tpu.dma_semaphore, #tpu.memory_space<semaphore_mem>>) src(%dma_wait3A_20 : memref<64x768xf32, #tpu.memory_space<hbm>>) dst(%arg7 : memref<64x768xf32, #tpu.memory_space<vmem>>)
      tpu.yield
    }) : () -> ()
    "tpu.region"() ({
      %run_scoped3A = tpu.sem_alloc : memref<!tpu.dma_semaphore, #tpu.memory_space<semaphore_mem>>
      %dma_start3A_13 = arith.constant 0 : i32
      %dma_start3A_14 = tpu.memref_slice %arg3[%add3A, %dma_start3A_13] : memref<32x64xi32, #tpu.memory_space<hbm>> -> memref<1x64xi32, #tpu.memory_space<hbm>>
      %dma_start3A_15 = tpu.memref_squeeze %dma_start3A_14 : memref<1x64xi32, #tpu.memory_space<hbm>> -> memref<64xi32, #tpu.memory_space<hbm>>
      %dma_start3A_16 = arith.constant 0 : i32
      %dma_start3A_17 = tpu.memref_slice %arg3[%add3A, %dma_start3A_16] : memref<32x64xi32, #tpu.memory_space<hbm>> -> memref<1x64xi32, #tpu.memory_space<hbm>>
      %dma_start3A_18 = tpu.memref_squeeze %dma_start3A_17 : memref<1x64xi32, #tpu.memory_space<hbm>> -> memref<64xi32, #tpu.memory_space<hbm>>
      tpu.enqueue_dma source(%dma_start3A_18 : memref<64xi32, #tpu.memory_space<hbm>>) target(%arg6 : memref<64xi32, #tpu.memory_space<vmem>>) target_semaphore(%run_scoped3A : memref<!tpu.dma_semaphore, #tpu.memory_space<semaphore_mem>>)
      %dma_wait3A_19 = arith.constant 0 : i32
      %dma_wait3A_20 = tpu.memref_slice %arg3[%add3A, %dma_wait3A_19] : memref<32x64xi32, #tpu.memory_space<hbm>> -> memref<1x64xi32, #tpu.memory_space<hbm>>
      %dma_wait3A_21 = tpu.memref_squeeze %dma_wait3A_20 : memref<1x64xi32, #tpu.memory_space<hbm>> -> memref<64xi32, #tpu.memory_space<hbm>>
      %dma_wait3A_22 = arith.constant 0 : i32
      %dma_wait3A_23 = tpu.memref_slice %arg3[%add3A, %dma_wait3A_22] : memref<32x64xi32, #tpu.memory_space<hbm>> -> memref<1x64xi32, #tpu.memory_space<hbm>>
      %dma_wait3A_24 = tpu.memref_squeeze %dma_wait3A_23 : memref<1x64xi32, #tpu.memory_space<hbm>> -> memref<64xi32, #tpu.memory_space<hbm>>
      tpu.wait_dma2 semaphore(%run_scoped3A : memref<!tpu.dma_semaphore, #tpu.memory_space<semaphore_mem>>) src(%dma_wait3A_24 : memref<64xi32, #tpu.memory_space<hbm>>) dst(%arg6 : memref<64xi32, #tpu.memory_space<vmem>>)
      tpu.yield
    }) : () -> ()
    %dma_start3A = arith.constant 0 : i32
    %dma_start3A_3 = arith.constant 0 : i32
    %dma_start3A_4 = tpu.memref_slice %arg5[%dma_start3A, %dma_start3A_3] : memref<6144x768xf32, #tpu.memory_space<hbm>> -> memref<6144x768xf32, #tpu.memory_space<hbm>>
    tpu.enqueue_indirect_dma source(%arg7 : memref<64x768xf32, #tpu.memory_space<vmem>>) target(%dma_start3A_4 : memref<6144x768xf32, #tpu.memory_space<hbm>>) offsets(%arg6 : memref<64xi32, #tpu.memory_space<vmem>>) semaphore(%arg8 : memref<!tpu.dma_semaphore, #tpu.memory_space<semaphore_mem>>)
    %dma_wait3A = arith.constant 0 : i32
    %dma_wait3A_5 = arith.constant 0 : i32
    %dma_wait3A_6 = tpu.memref_slice %arg5[%dma_wait3A, %dma_wait3A_5] : memref<6144x768xf32, #tpu.memory_space<hbm>> -> memref<6144x768xf32, #tpu.memory_space<hbm>>
    tpu.wait_indirect_dma semaphore(%arg8 : memref<!tpu.dma_semaphore, #tpu.memory_space<semaphore_mem>>) src(%arg7 : memref<64x768xf32, #tpu.memory_space<vmem>>) dst(%dma_wait3A_6 : memref<6144x768xf32, #tpu.memory_space<hbm>>)
    "tpu.region"() ({
      %run_scoped3A = tpu.sem_alloc : memref<!tpu.dma_semaphore, #tpu.memory_space<semaphore_mem>>
      %dma_start3A_13 = arith.constant 0 : i32
      %dma_start3A_14 = tpu.memref_slice %arg4[%add3A, %dma_start3A_13] : memref<32x64xi32, #tpu.memory_space<hbm>> -> memref<1x64xi32, #tpu.memory_space<hbm>>
      %dma_start3A_15 = tpu.memref_squeeze %dma_start3A_14 : memref<1x64xi32, #tpu.memory_space<hbm>> -> memref<64xi32, #tpu.memory_space<hbm>>
      %dma_start3A_16 = arith.constant 0 : i32
      %dma_start3A_17 = tpu.memref_slice %arg4[%add3A, %dma_start3A_16] : memref<32x64xi32, #tpu.memory_space<hbm>> -> memref<1x64xi32, #tpu.memory_space<hbm>>
      %dma_start3A_18 = tpu.memref_squeeze %dma_start3A_17 : memref<1x64xi32, #tpu.memory_space<hbm>> -> memref<64xi32, #tpu.memory_space<hbm>>
      tpu.enqueue_dma source(%dma_start3A_18 : memref<64xi32, #tpu.memory_space<hbm>>) target(%arg6 : memref<64xi32, #tpu.memory_space<vmem>>) target_semaphore(%run_scoped3A : memref<!tpu.dma_semaphore, #tpu.memory_space<semaphore_mem>>)
      %dma_wait3A_19 = arith.constant 0 : i32
      %dma_wait3A_20 = tpu.memref_slice %arg4[%add3A, %dma_wait3A_19] : memref<32x64xi32, #tpu.memory_space<hbm>> -> memref<1x64xi32, #tpu.memory_space<hbm>>
      %dma_wait3A_21 = tpu.memref_squeeze %dma_wait3A_20 : memref<1x64xi32, #tpu.memory_space<hbm>> -> memref<64xi32, #tpu.memory_space<hbm>>
      %dma_wait3A_22 = arith.constant 0 : i32
      %dma_wait3A_23 = tpu.memref_slice %arg4[%add3A, %dma_wait3A_22] : memref<32x64xi32, #tpu.memory_space<hbm>> -> memref<1x64xi32, #tpu.memory_space<hbm>>
      %dma_wait3A_24 = tpu.memref_squeeze %dma_wait3A_23 : memref<1x64xi32, #tpu.memory_space<hbm>> -> memref<64xi32, #tpu.memory_space<hbm>>
      tpu.wait_dma2 semaphore(%run_scoped3A : memref<!tpu.dma_semaphore, #tpu.memory_space<semaphore_mem>>) src(%dma_wait3A_24 : memref<64xi32, #tpu.memory_space<hbm>>) dst(%arg6 : memref<64xi32, #tpu.memory_space<vmem>>)
      tpu.yield
    }) : () -> ()
    %dma_start3A_7 = arith.constant 0 : i32
    %dma_start3A_8 = arith.constant 0 : i32
    %dma_start3A_9 = tpu.memref_slice %arg5[%dma_start3A_7, %dma_start3A_8] : memref<6144x768xf32, #tpu.memory_space<hbm>> -> memref<6144x768xf32, #tpu.memory_space<hbm>>
    tpu.enqueue_indirect_dma source(%arg7 : memref<64x768xf32, #tpu.memory_space<vmem>>) target(%dma_start3A_9 : memref<6144x768xf32, #tpu.memory_space<hbm>>) offsets(%arg6 : memref<64xi32, #tpu.memory_space<vmem>>) semaphore(%arg8 : memref<!tpu.dma_semaphore, #tpu.memory_space<semaphore_mem>>)
    %dma_wait3A_10 = arith.constant 0 : i32
    %dma_wait3A_11 = arith.constant 0 : i32
    %dma_wait3A_12 = tpu.memref_slice %arg5[%dma_wait3A_10, %dma_wait3A_11] : memref<6144x768xf32, #tpu.memory_space<hbm>> -> memref<6144x768xf32, #tpu.memory_space<hbm>>
    tpu.wait_indirect_dma semaphore(%arg8 : memref<!tpu.dma_semaphore, #tpu.memory_space<semaphore_mem>>) src(%arg7 : memref<64x768xf32, #tpu.memory_space<vmem>>) dst(%dma_wait3A_12 : memref<6144x768xf32, #tpu.memory_space<hbm>>)
    return
  }
}

module attributes {stable_mosaic.version = 14 : i64} {
  func.func @_qkv_body(%arg0: memref<2048x768xf32, #tpu.memory_space<vmem>>, %arg1: memref<2048x768xf32, #tpu.memory_space<vmem>>, %arg2: memref<768x768xf32, #tpu.memory_space<vmem>>, %arg3: memref<768xf32, #tpu.memory_space<vmem>>, %arg4: memref<768x768xf32, #tpu.memory_space<vmem>>, %arg5: memref<768xf32, #tpu.memory_space<vmem>>, %arg6: memref<768x768xf32, #tpu.memory_space<vmem>>, %arg7: memref<768xf32, #tpu.memory_space<vmem>>, %arg8: memref<2048x768xf32, #tpu.memory_space<vmem>>, %arg9: memref<2048x768xf32, #tpu.memory_space<vmem>>, %arg10: memref<2048x768xf32, #tpu.memory_space<vmem>>) attributes {dimension_semantics = [], scalar_prefetch = 0 : i64, scratch_operands = 0 : i64, tpu.core_type = #tpu.core_type<tc>} {
    %get3A = arith.constant 0 : index
    %get3A_0 = arith.constant 0 : index
    %get3A_1 = vector.load %arg0[%get3A, %get3A_0] : memref<2048x768xf32, #tpu.memory_space<vmem>>, vector<2048x768xf32>
    %get3A_2 = arith.constant 0 : index
    %get3A_3 = arith.constant 0 : index
    %get3A_4 = vector.load %arg1[%get3A_2, %get3A_3] : memref<2048x768xf32, #tpu.memory_space<vmem>>, vector<2048x768xf32>
    %get3A_5 = arith.constant 0 : index
    %get3A_6 = arith.constant 0 : index
    %get3A_7 = vector.load %arg2[%get3A_5, %get3A_6] : memref<768x768xf32, #tpu.memory_space<vmem>>, vector<768x768xf32>
    %dot_general3A = arith.constant dense<0.000000e+00> : vector<2048x768xf32>
    %dot_general3A_8 = tpu.matmul %get3A_1, %get3A_7, %dot_general3A {dimension_numbers = #tpu.dot_dimension_numbers<[1], [0], [0], [1], [0, 0, 1, 1], [], []>, transpose_lhs_hint = false} : vector<2048x768xf32>, vector<768x768xf32>, vector<2048x768xf32> -> vector<2048x768xf32>
    %get3A_9 = arith.constant 0 : index
    %get3A_10 = vector.load %arg3[%get3A_9] : memref<768xf32, #tpu.memory_space<vmem>>, vector<768xf32>
    %broadcast_in_dim3A = vector.shape_cast %get3A_10 : vector<768xf32> to vector<1x768xf32>
    %add3A = vector.broadcast %broadcast_in_dim3A : vector<1x768xf32> to vector<2048x768xf32>
    %add3A_11 = arith.addf %dot_general3A_8, %add3A : vector<2048x768xf32>
    %swap3A = arith.constant 0 : index
    %swap3A_12 = arith.constant 0 : index
    %swap3A_13 = vector.load %arg8[%swap3A, %swap3A_12] : memref<2048x768xf32, #tpu.memory_space<vmem>>, vector<2048x768xf32>
    tpu.vector_store %arg8[%swap3A, %swap3A_12], %add3A_11 {strides = array<i32>} : memref<2048x768xf32, #tpu.memory_space<vmem>>, vector<2048x768xf32>,
    %get3A_14 = arith.constant 0 : index
    %get3A_15 = arith.constant 0 : index
    %get3A_16 = vector.load %arg4[%get3A_14, %get3A_15] : memref<768x768xf32, #tpu.memory_space<vmem>>, vector<768x768xf32>
    %dot_general3A_17 = arith.constant dense<0.000000e+00> : vector<2048x768xf32>
    %dot_general3A_18 = tpu.matmul %get3A_4, %get3A_16, %dot_general3A_17 {dimension_numbers = #tpu.dot_dimension_numbers<[1], [0], [0], [1], [0, 0, 1, 1], [], []>, transpose_lhs_hint = false} : vector<2048x768xf32>, vector<768x768xf32>, vector<2048x768xf32> -> vector<2048x768xf32>
    %get3A_19 = arith.constant 0 : index
    %get3A_20 = vector.load %arg5[%get3A_19] : memref<768xf32, #tpu.memory_space<vmem>>, vector<768xf32>
    %broadcast_in_dim3A_21 = vector.shape_cast %get3A_20 : vector<768xf32> to vector<1x768xf32>
    %add3A_22 = vector.broadcast %broadcast_in_dim3A_21 : vector<1x768xf32> to vector<2048x768xf32>
    %add3A_23 = arith.addf %dot_general3A_18, %add3A_22 : vector<2048x768xf32>
    %swap3A_24 = arith.constant 0 : index
    %swap3A_25 = arith.constant 0 : index
    %swap3A_26 = vector.load %arg9[%swap3A_24, %swap3A_25] : memref<2048x768xf32, #tpu.memory_space<vmem>>, vector<2048x768xf32>
    tpu.vector_store %arg9[%swap3A_24, %swap3A_25], %add3A_23 {strides = array<i32>} : memref<2048x768xf32, #tpu.memory_space<vmem>>, vector<2048x768xf32>,
    %get3A_27 = arith.constant 0 : index
    %get3A_28 = arith.constant 0 : index
    %get3A_29 = vector.load %arg6[%get3A_27, %get3A_28] : memref<768x768xf32, #tpu.memory_space<vmem>>, vector<768x768xf32>
    %dot_general3A_30 = arith.constant dense<0.000000e+00> : vector<2048x768xf32>
    %dot_general3A_31 = tpu.matmul %get3A_4, %get3A_29, %dot_general3A_30 {dimension_numbers = #tpu.dot_dimension_numbers<[1], [0], [0], [1], [0, 0, 1, 1], [], []>, transpose_lhs_hint = false} : vector<2048x768xf32>, vector<768x768xf32>, vector<2048x768xf32> -> vector<2048x768xf32>
    %get3A_32 = arith.constant 0 : index
    %get3A_33 = vector.load %arg7[%get3A_32] : memref<768xf32, #tpu.memory_space<vmem>>, vector<768xf32>
    %broadcast_in_dim3A_34 = vector.shape_cast %get3A_33 : vector<768xf32> to vector<1x768xf32>
    %add3A_35 = vector.broadcast %broadcast_in_dim3A_34 : vector<1x768xf32> to vector<2048x768xf32>
    %add3A_36 = arith.addf %dot_general3A_31, %add3A_35 : vector<2048x768xf32>
    %swap3A_37 = arith.constant 0 : index
    %swap3A_38 = arith.constant 0 : index
    %swap3A_39 = vector.load %arg10[%swap3A_37, %swap3A_38] : memref<2048x768xf32, #tpu.memory_space<vmem>>, vector<2048x768xf32>
    tpu.vector_store %arg10[%swap3A_37, %swap3A_38], %add3A_36 {strides = array<i32>} : memref<2048x768xf32, #tpu.memory_space<vmem>>, vector<2048x768xf32>,
    return
  }
}

module attributes {stable_mosaic.version = 14 : i64} {
  func.func @_proj_ln_body(%arg0: memref<2048x768xf32, #tpu.memory_space<vmem>>, %arg1: memref<768x768xf32, #tpu.memory_space<vmem>>, %arg2: memref<768xf32, #tpu.memory_space<vmem>>, %arg3: memref<2048x768xf32, #tpu.memory_space<vmem>>, %arg4: memref<768xf32, #tpu.memory_space<vmem>>, %arg5: memref<768xf32, #tpu.memory_space<vmem>>, %arg6: memref<2048x768xf32, #tpu.memory_space<vmem>>) attributes {dimension_semantics = [], scalar_prefetch = 0 : i64, scratch_operands = 0 : i64, tpu.core_type = #tpu.core_type<tc>} {
    %get3A = arith.constant 0 : index
    %get3A_0 = arith.constant 0 : index
    %get3A_1 = vector.load %arg0[%get3A, %get3A_0] : memref<2048x768xf32, #tpu.memory_space<vmem>>, vector<2048x768xf32>
    %get3A_2 = arith.constant 0 : index
    %get3A_3 = arith.constant 0 : index
    %get3A_4 = vector.load %arg1[%get3A_2, %get3A_3] : memref<768x768xf32, #tpu.memory_space<vmem>>, vector<768x768xf32>
    %dot_general3A = arith.constant dense<0.000000e+00> : vector<2048x768xf32>
    %dot_general3A_5 = tpu.matmul %get3A_1, %get3A_4, %dot_general3A {dimension_numbers = #tpu.dot_dimension_numbers<[1], [0], [0], [1], [0, 0, 1, 1], [], []>, transpose_lhs_hint = false} : vector<2048x768xf32>, vector<768x768xf32>, vector<2048x768xf32> -> vector<2048x768xf32>
    %get3A_6 = arith.constant 0 : index
    %get3A_7 = vector.load %arg2[%get3A_6] : memref<768xf32, #tpu.memory_space<vmem>>, vector<768xf32>
    %broadcast_in_dim3A = vector.shape_cast %get3A_7 : vector<768xf32> to vector<1x768xf32>
    %add3A = vector.broadcast %broadcast_in_dim3A : vector<1x768xf32> to vector<2048x768xf32>
    %add3A_8 = arith.addf %dot_general3A_5, %add3A : vector<2048x768xf32>
    %get3A_9 = arith.constant 0 : index
    %get3A_10 = arith.constant 0 : index
    %get3A_11 = vector.load %arg3[%get3A_9, %get3A_10] : memref<2048x768xf32, #tpu.memory_space<vmem>>, vector<2048x768xf32>
    %add3A_12 = arith.addf %add3A_8, %get3A_11 : vector<2048x768xf32>
    %reduce_sum3A = arith.constant dense<0.000000e+00> : vector<2048xf32>
    %reduce_sum3A_13 = vector.multi_reduction <add>, %add3A_12, %reduce_sum3A [1] : vector<2048x768xf32> to vector<2048xf32>
    %broadcast_in_dim3A_14 = vector.shape_cast %reduce_sum3A_13 : vector<2048xf32> to vector<2048x1xf32>
    %div3A = arith.constant 7.680000e+02 : f32
    %div3A_15 = vector.broadcast %div3A : f32 to vector<2048x1xf32>
    %div3A_16 = arith.divf %broadcast_in_dim3A_14, %div3A_15 : vector<2048x1xf32>
    %sub3A = vector.broadcast %div3A_16 : vector<2048x1xf32> to vector<2048x768xf32>
    %sub3A_17 = arith.subf %add3A_12, %sub3A : vector<2048x768xf32>
    %mul3A = arith.mulf %sub3A_17, %sub3A_17 : vector<2048x768xf32>
    %reduce_sum3A_18 = arith.constant dense<0.000000e+00> : vector<2048xf32>
    %reduce_sum3A_19 = vector.multi_reduction <add>, %mul3A, %reduce_sum3A_18 [1] : vector<2048x768xf32> to vector<2048xf32>
    %broadcast_in_dim3A_20 = vector.shape_cast %reduce_sum3A_19 : vector<2048xf32> to vector<2048x1xf32>
    %div3A_21 = arith.constant 7.680000e+02 : f32
    %div3A_22 = vector.broadcast %div3A_21 : f32 to vector<2048x1xf32>
    %div3A_23 = arith.divf %broadcast_in_dim3A_20, %div3A_22 : vector<2048x1xf32>
    %add3A_24 = arith.constant 9.99999974E-6 : f32
    %add3A_25 = vector.broadcast %add3A_24 : f32 to vector<2048x1xf32>
    %add3A_26 = arith.addf %div3A_23, %add3A_25 : vector<2048x1xf32>
    %rsqrt3A = math.rsqrt %add3A_26 : vector<2048x1xf32>
    %mul3A_27 = vector.broadcast %rsqrt3A : vector<2048x1xf32> to vector<2048x768xf32>
    %mul3A_28 = arith.mulf %sub3A_17, %mul3A_27 : vector<2048x768xf32>
    %get3A_29 = arith.constant 0 : index
    %get3A_30 = vector.load %arg4[%get3A_29] : memref<768xf32, #tpu.memory_space<vmem>>, vector<768xf32>
    %broadcast_in_dim3A_31 = vector.shape_cast %get3A_30 : vector<768xf32> to vector<1x768xf32>
    %mul3A_32 = vector.broadcast %broadcast_in_dim3A_31 : vector<1x768xf32> to vector<2048x768xf32>
    %mul3A_33 = arith.mulf %mul3A_28, %mul3A_32 : vector<2048x768xf32>
    %get3A_34 = arith.constant 0 : index
    %get3A_35 = vector.load %arg5[%get3A_34] : memref<768xf32, #tpu.memory_space<vmem>>, vector<768xf32>
    %broadcast_in_dim3A_36 = vector.shape_cast %get3A_35 : vector<768xf32> to vector<1x768xf32>
    %add3A_37 = vector.broadcast %broadcast_in_dim3A_36 : vector<1x768xf32> to vector<2048x768xf32>
    %add3A_38 = arith.addf %mul3A_33, %add3A_37 : vector<2048x768xf32>
    %swap3A = arith.constant 0 : index
    %swap3A_39 = arith.constant 0 : index
    %swap3A_40 = vector.load %arg6[%swap3A, %swap3A_39] : memref<2048x768xf32, #tpu.memory_space<vmem>>, vector<2048x768xf32>
    tpu.vector_store %arg6[%swap3A, %swap3A_39], %add3A_38 {strides = array<i32>} : memref<2048x768xf32, #tpu.memory_space<vmem>>, vector<2048x768xf32>,
    return
  }
}

module attributes {stable_mosaic.version = 14 : i64} {
  func.func @_attn_body(%arg0: i32, %arg1: memref<256x768xf32, #tpu.memory_space<vmem>>, %arg2: memref<2048x768xf32, #tpu.memory_space<vmem>>, %arg3: memref<2048x768xf32, #tpu.memory_space<vmem>>, %arg4: memref<256x768xf32, #tpu.memory_space<vmem>>) attributes {dimension_semantics = [#tpu.dimension_semantics<arbitrary>], iteration_bounds = array<i64: 8>, scalar_prefetch = 0 : i64, scratch_operands = 0 : i64, tpu.core_type = #tpu.core_type<tc>, window_params = [{transform_indices = @transform_0, window_bounds = array<i64: 256, 768>}, {pipeline_mode = #tpu.pipeline_mode<synchronous>, transform_indices = @transform_1, window_bounds = array<i64: 2048, 768>}, {pipeline_mode = #tpu.pipeline_mode<synchronous>, transform_indices = @transform_2, window_bounds = array<i64: 2048, 768>}, {transform_indices = @transform_3, window_bounds = array<i64: 256, 768>}]} {
    %mul3A = arith.constant 256 : i32
    %mul3A_0 = arith.muli %arg0, %mul3A : i32
    %iota3A = tpu.iota {dimensions = array<i32: 0>} : vector<256x2048xi32>
    %add3A = vector.broadcast %mul3A_0 : i32 to vector<256x2048xi32>
    %add3A_1 = arith.addi %add3A, %iota3A : vector<256x2048xi32>
    %iota3A_2 = tpu.iota {dimensions = array<i32: 1>} : vector<256x2048xi32>
    %le3A = arith.cmpi sle, %iota3A_2, %add3A_1 : vector<256x2048xi32>
    %get3A = arith.constant 0 : index
    %get3A_3 = arith.constant 0 : index
    %get3A_4 = vector.load %arg1[%get3A, %get3A_3] : memref<256x768xf32, #tpu.memory_space<vmem>>, vector<256x64xf32>
    %get3A_5 = arith.constant 0 : index
    %get3A_6 = arith.constant 0 : index
    %get3A_7 = vector.load %arg2[%get3A_5, %get3A_6] : memref<2048x768xf32, #tpu.memory_space<vmem>>, vector<2048x64xf32>
    %dot_general3A = arith.constant dense<0.000000e+00> : vector<256x2048xf32>
    %dot_general3A_8 = tpu.matmul %get3A_4, %get3A_7, %dot_general3A {dimension_numbers = #tpu.dot_dimension_numbers<[1], [1], [0], [0], [0, 0, 1, 0], [], []>, transpose_lhs_hint = false} : vector<256x64xf32>, vector<2048x64xf32>, vector<256x2048xf32> -> vector<256x2048xf32>
    %mul3A_9 = arith.constant 1.250000e-01 : f32
    %mul3A_10 = vector.broadcast %mul3A_9 : f32 to vector<256x2048xf32>
    %mul3A_11 = arith.mulf %dot_general3A_8, %mul3A_10 : vector<256x2048xf32>
    %jit3A = arith.constant 0xFF800000 : f32
    %broadcast_in_dim3A = vector.broadcast %jit3A : f32 to vector<256x2048xf32>
    %select_n3A = arith.select %le3A, %mul3A_11, %broadcast_in_dim3A : vector<256x2048xi1>, vector<256x2048xf32>
    %reduce_max3A = arith.constant dense<0xFF800000> : vector<256xf32>
    %reduce_max3A_12 = vector.multi_reduction <maximumf>, %select_n3A, %reduce_max3A [1] : vector<256x2048xf32> to vector<256xf32>
    %broadcast_in_dim3A_13 = vector.shape_cast %reduce_max3A_12 : vector<256xf32> to vector<256x1xf32>
    %sub3A = vector.broadcast %broadcast_in_dim3A_13 : vector<256x1xf32> to vector<256x2048xf32>
    %sub3A_14 = arith.subf %select_n3A, %sub3A : vector<256x2048xf32>
    %exp3A = math.exp %sub3A_14 : vector<256x2048xf32>
    %reduce_sum3A = arith.constant dense<0.000000e+00> : vector<256xf32>
    %reduce_sum3A_15 = vector.multi_reduction <add>, %exp3A, %reduce_sum3A [1] : vector<256x2048xf32> to vector<256xf32>
    %broadcast_in_dim3A_16 = vector.shape_cast %reduce_sum3A_15 : vector<256xf32> to vector<256x1xf32>
    %div3A = vector.broadcast %broadcast_in_dim3A_16 : vector<256x1xf32> to vector<256x2048xf32>
    %div3A_17 = arith.divf %exp3A, %div3A : vector<256x2048xf32>
    %get3A_18 = arith.constant 0 : index
    %get3A_19 = arith.constant 0 : index
    %get3A_20 = vector.load %arg3[%get3A_18, %get3A_19] : memref<2048x768xf32, #tpu.memory_space<vmem>>, vector<2048x64xf32>
    %dot_general3A_21 = arith.constant dense<0.000000e+00> : vector<256x64xf32>
    %dot_general3A_22 = tpu.matmul %div3A_17, %get3A_20, %dot_general3A_21 {dimension_numbers = #tpu.dot_dimension_numbers<[1], [0], [0], [1], [0, 0, 1, 1], [], []>, transpose_lhs_hint = false} : vector<256x2048xf32>, vector<2048x64xf32>, vector<256x64xf32> -> vector<256x64xf32>
    %swap3A = arith.constant 0 : index
    %swap3A_23 = arith.constant 0 : index
    %swap3A_24 = vector.load %arg4[%swap3A, %swap3A_23] : memref<256x768xf32, #tpu.memory_space<vmem>>, vector<256x64xf32>
    tpu.vector_store %arg4[%swap3A, %swap3A_23], %dot_general3A_22 {strides = array<i32>} : memref<256x768xf32, #tpu.memory_space<vmem>>, vector<256x64xf32>,
    %get3A_25 = arith.constant 0 : index
    %get3A_26 = arith.constant 64 : index
    %get3A_27 = vector.load %arg1[%get3A_25, %get3A_26] : memref<256x768xf32, #tpu.memory_space<vmem>>, vector<256x64xf32>
    %get3A_28 = arith.constant 0 : index
    %get3A_29 = arith.constant 64 : index
    %get3A_30 = vector.load %arg2[%get3A_28, %get3A_29] : memref<2048x768xf32, #tpu.memory_space<vmem>>, vector<2048x64xf32>
    %dot_general3A_31 = arith.constant dense<0.000000e+00> : vector<256x2048xf32>
    %dot_general3A_32 = tpu.matmul %get3A_27, %get3A_30, %dot_general3A_31 {dimension_numbers = #tpu.dot_dimension_numbers<[1], [1], [0], [0], [0, 0, 1, 0], [], []>, transpose_lhs_hint = false} : vector<256x64xf32>, vector<2048x64xf32>, vector<256x2048xf32> -> vector<256x2048xf32>
    %mul3A_33 = arith.constant 1.250000e-01 : f32
    %mul3A_34 = vector.broadcast %mul3A_33 : f32 to vector<256x2048xf32>
    %mul3A_35 = arith.mulf %dot_general3A_32, %mul3A_34 : vector<256x2048xf32>
    %jit3A_36 = arith.constant 0xFF800000 : f32
    %broadcast_in_dim3A_37 = vector.broadcast %jit3A_36 : f32 to vector<256x2048xf32>
    %select_n3A_38 = arith.select %le3A, %mul3A_35, %broadcast_in_dim3A_37 : vector<256x2048xi1>, vector<256x2048xf32>
    %reduce_max3A_39 = arith.constant dense<0xFF800000> : vector<256xf32>
    %reduce_max3A_40 = vector.multi_reduction <maximumf>, %select_n3A_38, %reduce_max3A_39 [1] : vector<256x2048xf32> to vector<256xf32>
    %broadcast_in_dim3A_41 = vector.shape_cast %reduce_max3A_40 : vector<256xf32> to vector<256x1xf32>
    %sub3A_42 = vector.broadcast %broadcast_in_dim3A_41 : vector<256x1xf32> to vector<256x2048xf32>
    %sub3A_43 = arith.subf %select_n3A_38, %sub3A_42 : vector<256x2048xf32>
    %exp3A_44 = math.exp %sub3A_43 : vector<256x2048xf32>
    %reduce_sum3A_45 = arith.constant dense<0.000000e+00> : vector<256xf32>
    %reduce_sum3A_46 = vector.multi_reduction <add>, %exp3A_44, %reduce_sum3A_45 [1] : vector<256x2048xf32> to vector<256xf32>
    %broadcast_in_dim3A_47 = vector.shape_cast %reduce_sum3A_46 : vector<256xf32> to vector<256x1xf32>
    %div3A_48 = vector.broadcast %broadcast_in_dim3A_47 : vector<256x1xf32> to vector<256x2048xf32>
    %div3A_49 = arith.divf %exp3A_44, %div3A_48 : vector<256x2048xf32>
    %get3A_50 = arith.constant 0 : index
    %get3A_51 = arith.constant 64 : index
    %get3A_52 = vector.load %arg3[%get3A_50, %get3A_51] : memref<2048x768xf32, #tpu.memory_space<vmem>>, vector<2048x64xf32>
    %dot_general3A_53 = arith.constant dense<0.000000e+00> : vector<256x64xf32>
    %dot_general3A_54 = tpu.matmul %div3A_49, %get3A_52, %dot_general3A_53 {dimension_numbers = #tpu.dot_dimension_numbers<[1], [0], [0], [1], [0, 0, 1, 1], [], []>, transpose_lhs_hint = false} : vector<256x2048xf32>, vector<2048x64xf32>, vector<256x64xf32> -> vector<256x64xf32>
    %swap3A_55 = arith.constant 0 : index
    %swap3A_56 = arith.constant 64 : index
    %swap3A_57 = vector.load %arg4[%swap3A_55, %swap3A_56] : memref<256x768xf32, #tpu.memory_space<vmem>>, vector<256x64xf32>
    tpu.vector_store %arg4[%swap3A_55, %swap3A_56], %dot_general3A_54 {strides = array<i32>} : memref<256x768xf32, #tpu.memory_space<vmem>>, vector<256x64xf32>,
    %get3A_58 = arith.constant 0 : index
    %get3A_59 = arith.constant 128 : index
    %get3A_60 = vector.load %arg1[%get3A_58, %get3A_59] : memref<256x768xf32, #tpu.memory_space<vmem>>, vector<256x64xf32>
    %get3A_61 = arith.constant 0 : index
    %get3A_62 = arith.constant 128 : index
    %get3A_63 = vector.load %arg2[%get3A_61, %get3A_62] : memref<2048x768xf32, #tpu.memory_space<vmem>>, vector<2048x64xf32>
    %dot_general3A_64 = arith.constant dense<0.000000e+00> : vector<256x2048xf32>
    %dot_general3A_65 = tpu.matmul %get3A_60, %get3A_63, %dot_general3A_64 {dimension_numbers = #tpu.dot_dimension_numbers<[1], [1], [0], [0], [0, 0, 1, 0], [], []>, transpose_lhs_hint = false} : vector<256x64xf32>, vector<2048x64xf32>, vector<256x2048xf32> -> vector<256x2048xf32>
    %mul3A_66 = arith.constant 1.250000e-01 : f32
    %mul3A_67 = vector.broadcast %mul3A_66 : f32 to vector<256x2048xf32>
    %mul3A_68 = arith.mulf %dot_general3A_65, %mul3A_67 : vector<256x2048xf32>
    %jit3A_69 = arith.constant 0xFF800000 : f32
    %broadcast_in_dim3A_70 = vector.broadcast %jit3A_69 : f32 to vector<256x2048xf32>
    %select_n3A_71 = arith.select %le3A, %mul3A_68, %broadcast_in_dim3A_70 : vector<256x2048xi1>, vector<256x2048xf32>
    %reduce_max3A_72 = arith.constant dense<0xFF800000> : vector<256xf32>
    %reduce_max3A_73 = vector.multi_reduction <maximumf>, %select_n3A_71, %reduce_max3A_72 [1] : vector<256x2048xf32> to vector<256xf32>
    %broadcast_in_dim3A_74 = vector.shape_cast %reduce_max3A_73 : vector<256xf32> to vector<256x1xf32>
    %sub3A_75 = vector.broadcast %broadcast_in_dim3A_74 : vector<256x1xf32> to vector<256x2048xf32>
    %sub3A_76 = arith.subf %select_n3A_71, %sub3A_75 : vector<256x2048xf32>
    %exp3A_77 = math.exp %sub3A_76 : vector<256x2048xf32>
    %reduce_sum3A_78 = arith.constant dense<0.000000e+00> : vector<256xf32>
    %reduce_sum3A_79 = vector.multi_reduction <add>, %exp3A_77, %reduce_sum3A_78 [1] : vector<256x2048xf32> to vector<256xf32>
    %broadcast_in_dim3A_80 = vector.shape_cast %reduce_sum3A_79 : vector<256xf32> to vector<256x1xf32>
    %div3A_81 = vector.broadcast %broadcast_in_dim3A_80 : vector<256x1xf32> to vector<256x2048xf32>
    %div3A_82 = arith.divf %exp3A_77, %div3A_81 : vector<256x2048xf32>
    %get3A_83 = arith.constant 0 : index
    %get3A_84 = arith.constant 128 : index
    %get3A_85 = vector.load %arg3[%get3A_83, %get3A_84] : memref<2048x768xf32, #tpu.memory_space<vmem>>, vector<2048x64xf32>
    %dot_general3A_86 = arith.constant dense<0.000000e+00> : vector<256x64xf32>
    %dot_general3A_87 = tpu.matmul %div3A_82, %get3A_85, %dot_general3A_86 {dimension_numbers = #tpu.dot_dimension_numbers<[1], [0], [0], [1], [0, 0, 1, 1], [], []>, transpose_lhs_hint = false} : vector<256x2048xf32>, vector<2048x64xf32>, vector<256x64xf32> -> vector<256x64xf32>
    %swap3A_88 = arith.constant 0 : index
    %swap3A_89 = arith.constant 128 : index
    %swap3A_90 = vector.load %arg4[%swap3A_88, %swap3A_89] : memref<256x768xf32, #tpu.memory_space<vmem>>, vector<256x64xf32>
    tpu.vector_store %arg4[%swap3A_88, %swap3A_89], %dot_general3A_87 {strides = array<i32>} : memref<256x768xf32, #tpu.memory_space<vmem>>, vector<256x64xf32>,
    %get3A_91 = arith.constant 0 : index
    %get3A_92 = arith.constant 192 : index
    %get3A_93 = vector.load %arg1[%get3A_91, %get3A_92] : memref<256x768xf32, #tpu.memory_space<vmem>>, vector<256x64xf32>
    %get3A_94 = arith.constant 0 : index
    %get3A_95 = arith.constant 192 : index
    %get3A_96 = vector.load %arg2[%get3A_94, %get3A_95] : memref<2048x768xf32, #tpu.memory_space<vmem>>, vector<2048x64xf32>
    %dot_general3A_97 = arith.constant dense<0.000000e+00> : vector<256x2048xf32>
    %dot_general3A_98 = tpu.matmul %get3A_93, %get3A_96, %dot_general3A_97 {dimension_numbers = #tpu.dot_dimension_numbers<[1], [1], [0], [0], [0, 0, 1, 0], [], []>, transpose_lhs_hint = false} : vector<256x64xf32>, vector<2048x64xf32>, vector<256x2048xf32> -> vector<256x2048xf32>
    %mul3A_99 = arith.constant 1.250000e-01 : f32
    %mul3A_100 = vector.broadcast %mul3A_99 : f32 to vector<256x2048xf32>
    %mul3A_101 = arith.mulf %dot_general3A_98, %mul3A_100 : vector<256x2048xf32>
    %jit3A_102 = arith.constant 0xFF800000 : f32
    %broadcast_in_dim3A_103 = vector.broadcast %jit3A_102 : f32 to vector<256x2048xf32>
    %select_n3A_104 = arith.select %le3A, %mul3A_101, %broadcast_in_dim3A_103 : vector<256x2048xi1>, vector<256x2048xf32>
    %reduce_max3A_105 = arith.constant dense<0xFF800000> : vector<256xf32>
    %reduce_max3A_106 = vector.multi_reduction <maximumf>, %select_n3A_104, %reduce_max3A_105 [1] : vector<256x2048xf32> to vector<256xf32>
    %broadcast_in_dim3A_107 = vector.shape_cast %reduce_max3A_106 : vector<256xf32> to vector<256x1xf32>
    %sub3A_108 = vector.broadcast %broadcast_in_dim3A_107 : vector<256x1xf32> to vector<256x2048xf32>
    %sub3A_109 = arith.subf %select_n3A_104, %sub3A_108 : vector<256x2048xf32>
    %exp3A_110 = math.exp %sub3A_109 : vector<256x2048xf32>
    %reduce_sum3A_111 = arith.constant dense<0.000000e+00> : vector<256xf32>
    %reduce_sum3A_112 = vector.multi_reduction <add>, %exp3A_110, %reduce_sum3A_111 [1] : vector<256x2048xf32> to vector<256xf32>
    %broadcast_in_dim3A_113 = vector.shape_cast %reduce_sum3A_112 : vector<256xf32> to vector<256x1xf32>
    %div3A_114 = vector.broadcast %broadcast_in_dim3A_113 : vector<256x1xf32> to vector<256x2048xf32>
    %div3A_115 = arith.divf %exp3A_110, %div3A_114 : vector<256x2048xf32>
    %get3A_116 = arith.constant 0 : index
    %get3A_117 = arith.constant 192 : index
    %get3A_118 = vector.load %arg3[%get3A_116, %get3A_117] : memref<2048x768xf32, #tpu.memory_space<vmem>>, vector<2048x64xf32>
    %dot_general3A_119 = arith.constant dense<0.000000e+00> : vector<256x64xf32>
    %dot_general3A_120 = tpu.matmul %div3A_115, %get3A_118, %dot_general3A_119 {dimension_numbers = #tpu.dot_dimension_numbers<[1], [0], [0], [1], [0, 0, 1, 1], [], []>, transpose_lhs_hint = false} : vector<256x2048xf32>, vector<2048x64xf32>, vector<256x64xf32> -> vector<256x64xf32>
    %swap3A_121 = arith.constant 0 : index
    %swap3A_122 = arith.constant 192 : index
    %swap3A_123 = vector.load %arg4[%swap3A_121, %swap3A_122] : memref<256x768xf32, #tpu.memory_space<vmem>>, vector<256x64xf32>
    tpu.vector_store %arg4[%swap3A_121, %swap3A_122], %dot_general3A_120 {strides = array<i32>} : memref<256x768xf32, #tpu.memory_space<vmem>>, vector<256x64xf32>,
    %get3A_124 = arith.constant 0 : index
    %get3A_125 = arith.constant 256 : index
    %get3A_126 = vector.load %arg1[%get3A_124, %get3A_125] : memref<256x768xf32, #tpu.memory_space<vmem>>, vector<256x64xf32>
    %get3A_127 = arith.constant 0 : index
    %get3A_128 = arith.constant 256 : index
    %get3A_129 = vector.load %arg2[%get3A_127, %get3A_128] : memref<2048x768xf32, #tpu.memory_space<vmem>>, vector<2048x64xf32>
    %dot_general3A_130 = arith.constant dense<0.000000e+00> : vector<256x2048xf32>
    %dot_general3A_131 = tpu.matmul %get3A_126, %get3A_129, %dot_general3A_130 {dimension_numbers = #tpu.dot_dimension_numbers<[1], [1], [0], [0], [0, 0, 1, 0], [], []>, transpose_lhs_hint = false} : vector<256x64xf32>, vector<2048x64xf32>, vector<256x2048xf32> -> vector<256x2048xf32>
    %mul3A_132 = arith.constant 1.250000e-01 : f32
    %mul3A_133 = vector.broadcast %mul3A_132 : f32 to vector<256x2048xf32>
    %mul3A_134 = arith.mulf %dot_general3A_131, %mul3A_133 : vector<256x2048xf32>
    %jit3A_135 = arith.constant 0xFF800000 : f32
    %broadcast_in_dim3A_136 = vector.broadcast %jit3A_135 : f32 to vector<256x2048xf32>
    %select_n3A_137 = arith.select %le3A, %mul3A_134, %broadcast_in_dim3A_136 : vector<256x2048xi1>, vector<256x2048xf32>
    %reduce_max3A_138 = arith.constant dense<0xFF800000> : vector<256xf32>
    %reduce_max3A_139 = vector.multi_reduction <maximumf>, %select_n3A_137, %reduce_max3A_138 [1] : vector<256x2048xf32> to vector<256xf32>
    %broadcast_in_dim3A_140 = vector.shape_cast %reduce_max3A_139 : vector<256xf32> to vector<256x1xf32>
    %sub3A_141 = vector.broadcast %broadcast_in_dim3A_140 : vector<256x1xf32> to vector<256x2048xf32>
    %sub3A_142 = arith.subf %select_n3A_137, %sub3A_141 : vector<256x2048xf32>
    %exp3A_143 = math.exp %sub3A_142 : vector<256x2048xf32>
    %reduce_sum3A_144 = arith.constant dense<0.000000e+00> : vector<256xf32>
    %reduce_sum3A_145 = vector.multi_reduction <add>, %exp3A_143, %reduce_sum3A_144 [1] : vector<256x2048xf32> to vector<256xf32>
    %broadcast_in_dim3A_146 = vector.shape_cast %reduce_sum3A_145 : vector<256xf32> to vector<256x1xf32>
    %div3A_147 = vector.broadcast %broadcast_in_dim3A_146 : vector<256x1xf32> to vector<256x2048xf32>
    %div3A_148 = arith.divf %exp3A_143, %div3A_147 : vector<256x2048xf32>
    %get3A_149 = arith.constant 0 : index
    %get3A_150 = arith.constant 256 : index
    %get3A_151 = vector.load %arg3[%get3A_149, %get3A_150] : memref<2048x768xf32, #tpu.memory_space<vmem>>, vector<2048x64xf32>
    %dot_general3A_152 = arith.constant dense<0.000000e+00> : vector<256x64xf32>
    %dot_general3A_153 = tpu.matmul %div3A_148, %get3A_151, %dot_general3A_152 {dimension_numbers = #tpu.dot_dimension_numbers<[1], [0], [0], [1], [0, 0, 1, 1], [], []>, transpose_lhs_hint = false} : vector<256x2048xf32>, vector<2048x64xf32>, vector<256x64xf32> -> vector<256x64xf32>
    %swap3A_154 = arith.constant 0 : index
    %swap3A_155 = arith.constant 256 : index
    %swap3A_156 = vector.load %arg4[%swap3A_154, %swap3A_155] : memref<256x768xf32, #tpu.memory_space<vmem>>, vector<256x64xf32>
    tpu.vector_store %arg4[%swap3A_154, %swap3A_155], %dot_general3A_153 {strides = array<i32>} : memref<256x768xf32, #tpu.memory_space<vmem>>, vector<256x64xf32>,
    %get3A_157 = arith.constant 0 : index
    %get3A_158 = arith.constant 320 : index
    %get3A_159 = vector.load %arg1[%get3A_157, %get3A_158] : memref<256x768xf32, #tpu.memory_space<vmem>>, vector<256x64xf32>
    %get3A_160 = arith.constant 0 : index
    %get3A_161 = arith.constant 320 : index
    %get3A_162 = vector.load %arg2[%get3A_160, %get3A_161] : memref<2048x768xf32, #tpu.memory_space<vmem>>, vector<2048x64xf32>
    %dot_general3A_163 = arith.constant dense<0.000000e+00> : vector<256x2048xf32>
    %dot_general3A_164 = tpu.matmul %get3A_159, %get3A_162, %dot_general3A_163 {dimension_numbers = #tpu.dot_dimension_numbers<[1], [1], [0], [0], [0, 0, 1, 0], [], []>, transpose_lhs_hint = false} : vector<256x64xf32>, vector<2048x64xf32>, vector<256x2048xf32> -> vector<256x2048xf32>
    %mul3A_165 = arith.constant 1.250000e-01 : f32
    %mul3A_166 = vector.broadcast %mul3A_165 : f32 to vector<256x2048xf32>
    %mul3A_167 = arith.mulf %dot_general3A_164, %mul3A_166 : vector<256x2048xf32>
    %jit3A_168 = arith.constant 0xFF800000 : f32
    %broadcast_in_dim3A_169 = vector.broadcast %jit3A_168 : f32 to vector<256x2048xf32>
    %select_n3A_170 = arith.select %le3A, %mul3A_167, %broadcast_in_dim3A_169 : vector<256x2048xi1>, vector<256x2048xf32>
    %reduce_max3A_171 = arith.constant dense<0xFF800000> : vector<256xf32>
    %reduce_max3A_172 = vector.multi_reduction <maximumf>, %select_n3A_170, %reduce_max3A_171 [1] : vector<256x2048xf32> to vector<256xf32>
    %broadcast_in_dim3A_173 = vector.shape_cast %reduce_max3A_172 : vector<256xf32> to vector<256x1xf32>
    %sub3A_174 = vector.broadcast %broadcast_in_dim3A_173 : vector<256x1xf32> to vector<256x2048xf32>
    %sub3A_175 = arith.subf %select_n3A_170, %sub3A_174 : vector<256x2048xf32>
    %exp3A_176 = math.exp %sub3A_175 : vector<256x2048xf32>
    %reduce_sum3A_177 = arith.constant dense<0.000000e+00> : vector<256xf32>
    %reduce_sum3A_178 = vector.multi_reduction <add>, %exp3A_176, %reduce_sum3A_177 [1] : vector<256x2048xf32> to vector<256xf32>
    %broadcast_in_dim3A_179 = vector.shape_cast %reduce_sum3A_178 : vector<256xf32> to vector<256x1xf32>
    %div3A_180 = vector.broadcast %broadcast_in_dim3A_179 : vector<256x1xf32> to vector<256x2048xf32>
    %div3A_181 = arith.divf %exp3A_176, %div3A_180 : vector<256x2048xf32>
    %get3A_182 = arith.constant 0 : index
    %get3A_183 = arith.constant 320 : index
    %get3A_184 = vector.load %arg3[%get3A_182, %get3A_183] : memref<2048x768xf32, #tpu.memory_space<vmem>>, vector<2048x64xf32>
    %dot_general3A_185 = arith.constant dense<0.000000e+00> : vector<256x64xf32>
    %dot_general3A_186 = tpu.matmul %div3A_181, %get3A_184, %dot_general3A_185 {dimension_numbers = #tpu.dot_dimension_numbers<[1], [0], [0], [1], [0, 0, 1, 1], [], []>, transpose_lhs_hint = false} : vector<256x2048xf32>, vector<2048x64xf32>, vector<256x64xf32> -> vector<256x64xf32>
    %swap3A_187 = arith.constant 0 : index
    %swap3A_188 = arith.constant 320 : index
    %swap3A_189 = vector.load %arg4[%swap3A_187, %swap3A_188] : memref<256x768xf32, #tpu.memory_space<vmem>>, vector<256x64xf32>
    tpu.vector_store %arg4[%swap3A_187, %swap3A_188], %dot_general3A_186 {strides = array<i32>} : memref<256x768xf32, #tpu.memory_space<vmem>>, vector<256x64xf32>,
    %get3A_190 = arith.constant 0 : index
    %get3A_191 = arith.constant 384 : index
    %get3A_192 = vector.load %arg1[%get3A_190, %get3A_191] : memref<256x768xf32, #tpu.memory_space<vmem>>, vector<256x64xf32>
    %get3A_193 = arith.constant 0 : index
    %get3A_194 = arith.constant 384 : index
    %get3A_195 = vector.load %arg2[%get3A_193, %get3A_194] : memref<2048x768xf32, #tpu.memory_space<vmem>>, vector<2048x64xf32>
    %dot_general3A_196 = arith.constant dense<0.000000e+00> : vector<256x2048xf32>
    %dot_general3A_197 = tpu.matmul %get3A_192, %get3A_195, %dot_general3A_196 {dimension_numbers = #tpu.dot_dimension_numbers<[1], [1], [0], [0], [0, 0, 1, 0], [], []>, transpose_lhs_hint = false} : vector<256x64xf32>, vector<2048x64xf32>, vector<256x2048xf32> -> vector<256x2048xf32>
    %mul3A_198 = arith.constant 1.250000e-01 : f32
    %mul3A_199 = vector.broadcast %mul3A_198 : f32 to vector<256x2048xf32>
    %mul3A_200 = arith.mulf %dot_general3A_197, %mul3A_199 : vector<256x2048xf32>
    %jit3A_201 = arith.constant 0xFF800000 : f32
    %broadcast_in_dim3A_202 = vector.broadcast %jit3A_201 : f32 to vector<256x2048xf32>
    %select_n3A_203 = arith.select %le3A, %mul3A_200, %broadcast_in_dim3A_202 : vector<256x2048xi1>, vector<256x2048xf32>
    %reduce_max3A_204 = arith.constant dense<0xFF800000> : vector<256xf32>
    %reduce_max3A_205 = vector.multi_reduction <maximumf>, %select_n3A_203, %reduce_max3A_204 [1] : vector<256x2048xf32> to vector<256xf32>
    %broadcast_in_dim3A_206 = vector.shape_cast %reduce_max3A_205 : vector<256xf32> to vector<256x1xf32>
    %sub3A_207 = vector.broadcast %broadcast_in_dim3A_206 : vector<256x1xf32> to vector<256x2048xf32>
    %sub3A_208 = arith.subf %select_n3A_203, %sub3A_207 : vector<256x2048xf32>
    %exp3A_209 = math.exp %sub3A_208 : vector<256x2048xf32>
    %reduce_sum3A_210 = arith.constant dense<0.000000e+00> : vector<256xf32>
    %reduce_sum3A_211 = vector.multi_reduction <add>, %exp3A_209, %reduce_sum3A_210 [1] : vector<256x2048xf32> to vector<256xf32>
    %broadcast_in_dim3A_212 = vector.shape_cast %reduce_sum3A_211 : vector<256xf32> to vector<256x1xf32>
    %div3A_213 = vector.broadcast %broadcast_in_dim3A_212 : vector<256x1xf32> to vector<256x2048xf32>
    %div3A_214 = arith.divf %exp3A_209, %div3A_213 : vector<256x2048xf32>
    %get3A_215 = arith.constant 0 : index
    %get3A_216 = arith.constant 384 : index
    %get3A_217 = vector.load %arg3[%get3A_215, %get3A_216] : memref<2048x768xf32, #tpu.memory_space<vmem>>, vector<2048x64xf32>
    %dot_general3A_218 = arith.constant dense<0.000000e+00> : vector<256x64xf32>
    %dot_general3A_219 = tpu.matmul %div3A_214, %get3A_217, %dot_general3A_218 {dimension_numbers = #tpu.dot_dimension_numbers<[1], [0], [0], [1], [0, 0, 1, 1], [], []>, transpose_lhs_hint = false} : vector<256x2048xf32>, vector<2048x64xf32>, vector<256x64xf32> -> vector<256x64xf32>
    %swap3A_220 = arith.constant 0 : index
    %swap3A_221 = arith.constant 384 : index
    %swap3A_222 = vector.load %arg4[%swap3A_220, %swap3A_221] : memref<256x768xf32, #tpu.memory_space<vmem>>, vector<256x64xf32>
    tpu.vector_store %arg4[%swap3A_220, %swap3A_221], %dot_general3A_219 {strides = array<i32>} : memref<256x768xf32, #tpu.memory_space<vmem>>, vector<256x64xf32>,
    %get3A_223 = arith.constant 0 : index
    %get3A_224 = arith.constant 448 : index
    %get3A_225 = vector.load %arg1[%get3A_223, %get3A_224] : memref<256x768xf32, #tpu.memory_space<vmem>>, vector<256x64xf32>
    %get3A_226 = arith.constant 0 : index
    %get3A_227 = arith.constant 448 : index
    %get3A_228 = vector.load %arg2[%get3A_226, %get3A_227] : memref<2048x768xf32, #tpu.memory_space<vmem>>, vector<2048x64xf32>
    %dot_general3A_229 = arith.constant dense<0.000000e+00> : vector<256x2048xf32>
    %dot_general3A_230 = tpu.matmul %get3A_225, %get3A_228, %dot_general3A_229 {dimension_numbers = #tpu.dot_dimension_numbers<[1], [1], [0], [0], [0, 0, 1, 0], [], []>, transpose_lhs_hint = false} : vector<256x64xf32>, vector<2048x64xf32>, vector<256x2048xf32> -> vector<256x2048xf32>
    %mul3A_231 = arith.constant 1.250000e-01 : f32
    %mul3A_232 = vector.broadcast %mul3A_231 : f32 to vector<256x2048xf32>
    %mul3A_233 = arith.mulf %dot_general3A_230, %mul3A_232 : vector<256x2048xf32>
    %jit3A_234 = arith.constant 0xFF800000 : f32
    %broadcast_in_dim3A_235 = vector.broadcast %jit3A_234 : f32 to vector<256x2048xf32>
    %select_n3A_236 = arith.select %le3A, %mul3A_233, %broadcast_in_dim3A_235 : vector<256x2048xi1>, vector<256x2048xf32>
    %reduce_max3A_237 = arith.constant dense<0xFF800000> : vector<256xf32>
    %reduce_max3A_238 = vector.multi_reduction <maximumf>, %select_n3A_236, %reduce_max3A_237 [1] : vector<256x2048xf32> to vector<256xf32>
    %broadcast_in_dim3A_239 = vector.shape_cast %reduce_max3A_238 : vector<256xf32> to vector<256x1xf32>
    %sub3A_240 = vector.broadcast %broadcast_in_dim3A_239 : vector<256x1xf32> to vector<256x2048xf32>
    %sub3A_241 = arith.subf %select_n3A_236, %sub3A_240 : vector<256x2048xf32>
    %exp3A_242 = math.exp %sub3A_241 : vector<256x2048xf32>
    %reduce_sum3A_243 = arith.constant dense<0.000000e+00> : vector<256xf32>
    %reduce_sum3A_244 = vector.multi_reduction <add>, %exp3A_242, %reduce_sum3A_243 [1] : vector<256x2048xf32> to vector<256xf32>
    %broadcast_in_dim3A_245 = vector.shape_cast %reduce_sum3A_244 : vector<256xf32> to vector<256x1xf32>
    %div3A_246 = vector.broadcast %broadcast_in_dim3A_245 : vector<256x1xf32> to vector<256x2048xf32>
    %div3A_247 = arith.divf %exp3A_242, %div3A_246 : vector<256x2048xf32>
    %get3A_248 = arith.constant 0 : index
    %get3A_249 = arith.constant 448 : index
    %get3A_250 = vector.load %arg3[%get3A_248, %get3A_249] : memref<2048x768xf32, #tpu.memory_space<vmem>>, vector<2048x64xf32>
    %dot_general3A_251 = arith.constant dense<0.000000e+00> : vector<256x64xf32>
    %dot_general3A_252 = tpu.matmul %div3A_247, %get3A_250, %dot_general3A_251 {dimension_numbers = #tpu.dot_dimension_numbers<[1], [0], [0], [1], [0, 0, 1, 1], [], []>, transpose_lhs_hint = false} : vector<256x2048xf32>, vector<2048x64xf32>, vector<256x64xf32> -> vector<256x64xf32>
    %swap3A_253 = arith.constant 0 : index
    %swap3A_254 = arith.constant 448 : index
    %swap3A_255 = vector.load %arg4[%swap3A_253, %swap3A_254] : memref<256x768xf32, #tpu.memory_space<vmem>>, vector<256x64xf32>
    tpu.vector_store %arg4[%swap3A_253, %swap3A_254], %dot_general3A_252 {strides = array<i32>} : memref<256x768xf32, #tpu.memory_space<vmem>>, vector<256x64xf32>,
    %get3A_256 = arith.constant 0 : index
    %get3A_257 = arith.constant 512 : index
    %get3A_258 = vector.load %arg1[%get3A_256, %get3A_257] : memref<256x768xf32, #tpu.memory_space<vmem>>, vector<256x64xf32>
    %get3A_259 = arith.constant 0 : index
    %get3A_260 = arith.constant 512 : index
    %get3A_261 = vector.load %arg2[%get3A_259, %get3A_260] : memref<2048x768xf32, #tpu.memory_space<vmem>>, vector<2048x64xf32>
    %dot_general3A_262 = arith.constant dense<0.000000e+00> : vector<256x2048xf32>
    %dot_general3A_263 = tpu.matmul %get3A_258, %get3A_261, %dot_general3A_262 {dimension_numbers = #tpu.dot_dimension_numbers<[1], [1], [0], [0], [0, 0, 1, 0], [], []>, transpose_lhs_hint = false} : vector<256x64xf32>, vector<2048x64xf32>, vector<256x2048xf32> -> vector<256x2048xf32>
    %mul3A_264 = arith.constant 1.250000e-01 : f32
    %mul3A_265 = vector.broadcast %mul3A_264 : f32 to vector<256x2048xf32>
    %mul3A_266 = arith.mulf %dot_general3A_263, %mul3A_265 : vector<256x2048xf32>
    %jit3A_267 = arith.constant 0xFF800000 : f32
    %broadcast_in_dim3A_268 = vector.broadcast %jit3A_267 : f32 to vector<256x2048xf32>
    %select_n3A_269 = arith.select %le3A, %mul3A_266, %broadcast_in_dim3A_268 : vector<256x2048xi1>, vector<256x2048xf32>
    %reduce_max3A_270 = arith.constant dense<0xFF800000> : vector<256xf32>
    %reduce_max3A_271 = vector.multi_reduction <maximumf>, %select_n3A_269, %reduce_max3A_270 [1] : vector<256x2048xf32> to vector<256xf32>
    %broadcast_in_dim3A_272 = vector.shape_cast %reduce_max3A_271 : vector<256xf32> to vector<256x1xf32>
    %sub3A_273 = vector.broadcast %broadcast_in_dim3A_272 : vector<256x1xf32> to vector<256x2048xf32>
    %sub3A_274 = arith.subf %select_n3A_269, %sub3A_273 : vector<256x2048xf32>
    %exp3A_275 = math.exp %sub3A_274 : vector<256x2048xf32>
    %reduce_sum3A_276 = arith.constant dense<0.000000e+00> : vector<256xf32>
    %reduce_sum3A_277 = vector.multi_reduction <add>, %exp3A_275, %reduce_sum3A_276 [1] : vector<256x2048xf32> to vector<256xf32>
    %broadcast_in_dim3A_278 = vector.shape_cast %reduce_sum3A_277 : vector<256xf32> to vector<256x1xf32>
    %div3A_279 = vector.broadcast %broadcast_in_dim3A_278 : vector<256x1xf32> to vector<256x2048xf32>
    %div3A_280 = arith.divf %exp3A_275, %div3A_279 : vector<256x2048xf32>
    %get3A_281 = arith.constant 0 : index
    %get3A_282 = arith.constant 512 : index
    %get3A_283 = vector.load %arg3[%get3A_281, %get3A_282] : memref<2048x768xf32, #tpu.memory_space<vmem>>, vector<2048x64xf32>
    %dot_general3A_284 = arith.constant dense<0.000000e+00> : vector<256x64xf32>
    %dot_general3A_285 = tpu.matmul %div3A_280, %get3A_283, %dot_general3A_284 {dimension_numbers = #tpu.dot_dimension_numbers<[1], [0], [0], [1], [0, 0, 1, 1], [], []>, transpose_lhs_hint = false} : vector<256x2048xf32>, vector<2048x64xf32>, vector<256x64xf32> -> vector<256x64xf32>
    %swap3A_286 = arith.constant 0 : index
    %swap3A_287 = arith.constant 512 : index
    %swap3A_288 = vector.load %arg4[%swap3A_286, %swap3A_287] : memref<256x768xf32, #tpu.memory_space<vmem>>, vector<256x64xf32>
    tpu.vector_store %arg4[%swap3A_286, %swap3A_287], %dot_general3A_285 {strides = array<i32>} : memref<256x768xf32, #tpu.memory_space<vmem>>, vector<256x64xf32>,
    %get3A_289 = arith.constant 0 : index
    %get3A_290 = arith.constant 576 : index
    %get3A_291 = vector.load %arg1[%get3A_289, %get3A_290] : memref<256x768xf32, #tpu.memory_space<vmem>>, vector<256x64xf32>
    %get3A_292 = arith.constant 0 : index
    %get3A_293 = arith.constant 576 : index
    %get3A_294 = vector.load %arg2[%get3A_292, %get3A_293] : memref<2048x768xf32, #tpu.memory_space<vmem>>, vector<2048x64xf32>
    %dot_general3A_295 = arith.constant dense<0.000000e+00> : vector<256x2048xf32>
    %dot_general3A_296 = tpu.matmul %get3A_291, %get3A_294, %dot_general3A_295 {dimension_numbers = #tpu.dot_dimension_numbers<[1], [1], [0], [0], [0, 0, 1, 0], [], []>, transpose_lhs_hint = false} : vector<256x64xf32>, vector<2048x64xf32>, vector<256x2048xf32> -> vector<256x2048xf32>
    %mul3A_297 = arith.constant 1.250000e-01 : f32
    %mul3A_298 = vector.broadcast %mul3A_297 : f32 to vector<256x2048xf32>
    %mul3A_299 = arith.mulf %dot_general3A_296, %mul3A_298 : vector<256x2048xf32>
    %jit3A_300 = arith.constant 0xFF800000 : f32
    %broadcast_in_dim3A_301 = vector.broadcast %jit3A_300 : f32 to vector<256x2048xf32>
    %select_n3A_302 = arith.select %le3A, %mul3A_299, %broadcast_in_dim3A_301 : vector<256x2048xi1>, vector<256x2048xf32>
    %reduce_max3A_303 = arith.constant dense<0xFF800000> : vector<256xf32>
    %reduce_max3A_304 = vector.multi_reduction <maximumf>, %select_n3A_302, %reduce_max3A_303 [1] : vector<256x2048xf32> to vector<256xf32>
    %broadcast_in_dim3A_305 = vector.shape_cast %reduce_max3A_304 : vector<256xf32> to vector<256x1xf32>
    %sub3A_306 = vector.broadcast %broadcast_in_dim3A_305 : vector<256x1xf32> to vector<256x2048xf32>
    %sub3A_307 = arith.subf %select_n3A_302, %sub3A_306 : vector<256x2048xf32>
    %exp3A_308 = math.exp %sub3A_307 : vector<256x2048xf32>
    %reduce_sum3A_309 = arith.constant dense<0.000000e+00> : vector<256xf32>
    %reduce_sum3A_310 = vector.multi_reduction <add>, %exp3A_308, %reduce_sum3A_309 [1] : vector<256x2048xf32> to vector<256xf32>
    %broadcast_in_dim3A_311 = vector.shape_cast %reduce_sum3A_310 : vector<256xf32> to vector<256x1xf32>
    %div3A_312 = vector.broadcast %broadcast_in_dim3A_311 : vector<256x1xf32> to vector<256x2048xf32>
    %div3A_313 = arith.divf %exp3A_308, %div3A_312 : vector<256x2048xf32>
    %get3A_314 = arith.constant 0 : index
    %get3A_315 = arith.constant 576 : index
    %get3A_316 = vector.load %arg3[%get3A_314, %get3A_315] : memref<2048x768xf32, #tpu.memory_space<vmem>>, vector<2048x64xf32>
    %dot_general3A_317 = arith.constant dense<0.000000e+00> : vector<256x64xf32>
    %dot_general3A_318 = tpu.matmul %div3A_313, %get3A_316, %dot_general3A_317 {dimension_numbers = #tpu.dot_dimension_numbers<[1], [0], [0], [1], [0, 0, 1, 1], [], []>, transpose_lhs_hint = false} : vector<256x2048xf32>, vector<2048x64xf32>, vector<256x64xf32> -> vector<256x64xf32>
    %swap3A_319 = arith.constant 0 : index
    %swap3A_320 = arith.constant 576 : index
    %swap3A_321 = vector.load %arg4[%swap3A_319, %swap3A_320] : memref<256x768xf32, #tpu.memory_space<vmem>>, vector<256x64xf32>
    tpu.vector_store %arg4[%swap3A_319, %swap3A_320], %dot_general3A_318 {strides = array<i32>} : memref<256x768xf32, #tpu.memory_space<vmem>>, vector<256x64xf32>,
    %get3A_322 = arith.constant 0 : index
    %get3A_323 = arith.constant 640 : index
    %get3A_324 = vector.load %arg1[%get3A_322, %get3A_323] : memref<256x768xf32, #tpu.memory_space<vmem>>, vector<256x64xf32>
    %get3A_325 = arith.constant 0 : index
    %get3A_326 = arith.constant 640 : index
    %get3A_327 = vector.load %arg2[%get3A_325, %get3A_326] : memref<2048x768xf32, #tpu.memory_space<vmem>>, vector<2048x64xf32>
    %dot_general3A_328 = arith.constant dense<0.000000e+00> : vector<256x2048xf32>
    %dot_general3A_329 = tpu.matmul %get3A_324, %get3A_327, %dot_general3A_328 {dimension_numbers = #tpu.dot_dimension_numbers<[1], [1], [0], [0], [0, 0, 1, 0], [], []>, transpose_lhs_hint = false} : vector<256x64xf32>, vector<2048x64xf32>, vector<256x2048xf32> -> vector<256x2048xf32>
    %mul3A_330 = arith.constant 1.250000e-01 : f32
    %mul3A_331 = vector.broadcast %mul3A_330 : f32 to vector<256x2048xf32>
    %mul3A_332 = arith.mulf %dot_general3A_329, %mul3A_331 : vector<256x2048xf32>
    %jit3A_333 = arith.constant 0xFF800000 : f32
    %broadcast_in_dim3A_334 = vector.broadcast %jit3A_333 : f32 to vector<256x2048xf32>
    %select_n3A_335 = arith.select %le3A, %mul3A_332, %broadcast_in_dim3A_334 : vector<256x2048xi1>, vector<256x2048xf32>
    %reduce_max3A_336 = arith.constant dense<0xFF800000> : vector<256xf32>
    %reduce_max3A_337 = vector.multi_reduction <maximumf>, %select_n3A_335, %reduce_max3A_336 [1] : vector<256x2048xf32> to vector<256xf32>
    %broadcast_in_dim3A_338 = vector.shape_cast %reduce_max3A_337 : vector<256xf32> to vector<256x1xf32>
    %sub3A_339 = vector.broadcast %broadcast_in_dim3A_338 : vector<256x1xf32> to vector<256x2048xf32>
    %sub3A_340 = arith.subf %select_n3A_335, %sub3A_339 : vector<256x2048xf32>
    %exp3A_341 = math.exp %sub3A_340 : vector<256x2048xf32>
    %reduce_sum3A_342 = arith.constant dense<0.000000e+00> : vector<256xf32>
    %reduce_sum3A_343 = vector.multi_reduction <add>, %exp3A_341, %reduce_sum3A_342 [1] : vector<256x2048xf32> to vector<256xf32>
    %broadcast_in_dim3A_344 = vector.shape_cast %reduce_sum3A_343 : vector<256xf32> to vector<256x1xf32>
    %div3A_345 = vector.broadcast %broadcast_in_dim3A_344 : vector<256x1xf32> to vector<256x2048xf32>
    %div3A_346 = arith.divf %exp3A_341, %div3A_345 : vector<256x2048xf32>
    %get3A_347 = arith.constant 0 : index
    %get3A_348 = arith.constant 640 : index
    %get3A_349 = vector.load %arg3[%get3A_347, %get3A_348] : memref<2048x768xf32, #tpu.memory_space<vmem>>, vector<2048x64xf32>
    %dot_general3A_350 = arith.constant dense<0.000000e+00> : vector<256x64xf32>
    %dot_general3A_351 = tpu.matmul %div3A_346, %get3A_349, %dot_general3A_350 {dimension_numbers = #tpu.dot_dimension_numbers<[1], [0], [0], [1], [0, 0, 1, 1], [], []>, transpose_lhs_hint = false} : vector<256x2048xf32>, vector<2048x64xf32>, vector<256x64xf32> -> vector<256x64xf32>
    %swap3A_352 = arith.constant 0 : index
    %swap3A_353 = arith.constant 640 : index
    %swap3A_354 = vector.load %arg4[%swap3A_352, %swap3A_353] : memref<256x768xf32, #tpu.memory_space<vmem>>, vector<256x64xf32>
    tpu.vector_store %arg4[%swap3A_352, %swap3A_353], %dot_general3A_351 {strides = array<i32>} : memref<256x768xf32, #tpu.memory_space<vmem>>, vector<256x64xf32>,
    %get3A_355 = arith.constant 0 : index
    %get3A_356 = arith.constant 704 : index
    %get3A_357 = vector.load %arg1[%get3A_355, %get3A_356] : memref<256x768xf32, #tpu.memory_space<vmem>>, vector<256x64xf32>
    %get3A_358 = arith.constant 0 : index
    %get3A_359 = arith.constant 704 : index
    %get3A_360 = vector.load %arg2[%get3A_358, %get3A_359] : memref<2048x768xf32, #tpu.memory_space<vmem>>, vector<2048x64xf32>
    %dot_general3A_361 = arith.constant dense<0.000000e+00> : vector<256x2048xf32>
    %dot_general3A_362 = tpu.matmul %get3A_357, %get3A_360, %dot_general3A_361 {dimension_numbers = #tpu.dot_dimension_numbers<[1], [1], [0], [0], [0, 0, 1, 0], [], []>, transpose_lhs_hint = false} : vector<256x64xf32>, vector<2048x64xf32>, vector<256x2048xf32> -> vector<256x2048xf32>
    %mul3A_363 = arith.constant 1.250000e-01 : f32
    %mul3A_364 = vector.broadcast %mul3A_363 : f32 to vector<256x2048xf32>
    %mul3A_365 = arith.mulf %dot_general3A_362, %mul3A_364 : vector<256x2048xf32>
    %jit3A_366 = arith.constant 0xFF800000 : f32
    %broadcast_in_dim3A_367 = vector.broadcast %jit3A_366 : f32 to vector<256x2048xf32>
    %select_n3A_368 = arith.select %le3A, %mul3A_365, %broadcast_in_dim3A_367 : vector<256x2048xi1>, vector<256x2048xf32>
    %reduce_max3A_369 = arith.constant dense<0xFF800000> : vector<256xf32>
    %reduce_max3A_370 = vector.multi_reduction <maximumf>, %select_n3A_368, %reduce_max3A_369 [1] : vector<256x2048xf32> to vector<256xf32>
    %broadcast_in_dim3A_371 = vector.shape_cast %reduce_max3A_370 : vector<256xf32> to vector<256x1xf32>
    %sub3A_372 = vector.broadcast %broadcast_in_dim3A_371 : vector<256x1xf32> to vector<256x2048xf32>
    %sub3A_373 = arith.subf %select_n3A_368, %sub3A_372 : vector<256x2048xf32>
    %exp3A_374 = math.exp %sub3A_373 : vector<256x2048xf32>
    %reduce_sum3A_375 = arith.constant dense<0.000000e+00> : vector<256xf32>
    %reduce_sum3A_376 = vector.multi_reduction <add>, %exp3A_374, %reduce_sum3A_375 [1] : vector<256x2048xf32> to vector<256xf32>
    %broadcast_in_dim3A_377 = vector.shape_cast %reduce_sum3A_376 : vector<256xf32> to vector<256x1xf32>
    %div3A_378 = vector.broadcast %broadcast_in_dim3A_377 : vector<256x1xf32> to vector<256x2048xf32>
    %div3A_379 = arith.divf %exp3A_374, %div3A_378 : vector<256x2048xf32>
    %get3A_380 = arith.constant 0 : index
    %get3A_381 = arith.constant 704 : index
    %get3A_382 = vector.load %arg3[%get3A_380, %get3A_381] : memref<2048x768xf32, #tpu.memory_space<vmem>>, vector<2048x64xf32>
    %dot_general3A_383 = arith.constant dense<0.000000e+00> : vector<256x64xf32>
    %dot_general3A_384 = tpu.matmul %div3A_379, %get3A_382, %dot_general3A_383 {dimension_numbers = #tpu.dot_dimension_numbers<[1], [0], [0], [1], [0, 0, 1, 1], [], []>, transpose_lhs_hint = false} : vector<256x2048xf32>, vector<2048x64xf32>, vector<256x64xf32> -> vector<256x64xf32>
    %swap3A_385 = arith.constant 0 : index
    %swap3A_386 = arith.constant 704 : index
    %swap3A_387 = vector.load %arg4[%swap3A_385, %swap3A_386] : memref<256x768xf32, #tpu.memory_space<vmem>>, vector<256x64xf32>
    tpu.vector_store %arg4[%swap3A_385, %swap3A_386], %dot_general3A_384 {strides = array<i32>} : memref<256x768xf32, #tpu.memory_space<vmem>>, vector<256x64xf32>,
    return
  }
  func.func @transform_0(%arg0: i32) -> (i32, i32) {
    %c0_i32 = arith.constant 0 : i32
    %c0_i32_0 = arith.constant 0 : i32
    return %arg0, %c0_i32 : i32, i32
  }
  func.func @transform_1(%arg0: i32) -> (i32, i32) {
    %c0_i32 = arith.constant 0 : i32
    %c0_i32_0 = arith.constant 0 : i32
    %c0_i32_1 = arith.constant 0 : i32
    return %c0_i32, %c0_i32_0 : i32, i32
  }
  func.func @transform_2(%arg0: i32) -> (i32, i32) {
    %c0_i32 = arith.constant 0 : i32
    %c0_i32_0 = arith.constant 0 : i32
    %c0_i32_1 = arith.constant 0 : i32
    return %c0_i32, %c0_i32_0 : i32, i32
  }
  func.func @transform_3(%arg0: i32) -> (i32, i32) {
    %c0_i32 = arith.constant 0 : i32
    %c0_i32_0 = arith.constant 0 : i32
    return %arg0, %c0_i32 : i32, i32
  }
}

module attributes {stable_mosaic.version = 14 : i64} {
  func.func @_attn_body(%arg0: i32, %arg1: memref<256x768xf32, #tpu.memory_space<vmem>>, %arg2: memref<2048x768xf32, #tpu.memory_space<vmem>>, %arg3: memref<2048x768xf32, #tpu.memory_space<vmem>>, %arg4: memref<256x768xf32, #tpu.memory_space<vmem>>) attributes {dimension_semantics = [#tpu.dimension_semantics<arbitrary>], iteration_bounds = array<i64: 8>, scalar_prefetch = 0 : i64, scratch_operands = 0 : i64, tpu.core_type = #tpu.core_type<tc>, window_params = [{transform_indices = @transform_0, window_bounds = array<i64: 256, 768>}, {pipeline_mode = #tpu.pipeline_mode<synchronous>, transform_indices = @transform_1, window_bounds = array<i64: 2048, 768>}, {pipeline_mode = #tpu.pipeline_mode<synchronous>, transform_indices = @transform_2, window_bounds = array<i64: 2048, 768>}, {transform_indices = @transform_3, window_bounds = array<i64: 256, 768>}]} {
    %get3A = arith.constant 0 : index
    %get3A_0 = arith.constant 0 : index
    %get3A_1 = vector.load %arg1[%get3A, %get3A_0] : memref<256x768xf32, #tpu.memory_space<vmem>>, vector<256x64xf32>
    %get3A_2 = arith.constant 0 : index
    %get3A_3 = arith.constant 0 : index
    %get3A_4 = vector.load %arg2[%get3A_2, %get3A_3] : memref<2048x768xf32, #tpu.memory_space<vmem>>, vector<2048x64xf32>
    %dot_general3A = arith.constant dense<0.000000e+00> : vector<256x2048xf32>
    %dot_general3A_5 = tpu.matmul %get3A_1, %get3A_4, %dot_general3A {dimension_numbers = #tpu.dot_dimension_numbers<[1], [1], [0], [0], [0, 0, 1, 0], [], []>, transpose_lhs_hint = false} : vector<256x64xf32>, vector<2048x64xf32>, vector<256x2048xf32> -> vector<256x2048xf32>
    %mul3A = arith.constant 1.250000e-01 : f32
    %mul3A_6 = vector.broadcast %mul3A : f32 to vector<256x2048xf32>
    %mul3A_7 = arith.mulf %dot_general3A_5, %mul3A_6 : vector<256x2048xf32>
    %reduce_max3A = arith.constant dense<0xFF800000> : vector<256xf32>
    %reduce_max3A_8 = vector.multi_reduction <maximumf>, %mul3A_7, %reduce_max3A [1] : vector<256x2048xf32> to vector<256xf32>
    %broadcast_in_dim3A = vector.shape_cast %reduce_max3A_8 : vector<256xf32> to vector<256x1xf32>
    %sub3A = vector.broadcast %broadcast_in_dim3A : vector<256x1xf32> to vector<256x2048xf32>
    %sub3A_9 = arith.subf %mul3A_7, %sub3A : vector<256x2048xf32>
    %exp3A = math.exp %sub3A_9 : vector<256x2048xf32>
    %reduce_sum3A = arith.constant dense<0.000000e+00> : vector<256xf32>
    %reduce_sum3A_10 = vector.multi_reduction <add>, %exp3A, %reduce_sum3A [1] : vector<256x2048xf32> to vector<256xf32>
    %broadcast_in_dim3A_11 = vector.shape_cast %reduce_sum3A_10 : vector<256xf32> to vector<256x1xf32>
    %div3A = vector.broadcast %broadcast_in_dim3A_11 : vector<256x1xf32> to vector<256x2048xf32>
    %div3A_12 = arith.divf %exp3A, %div3A : vector<256x2048xf32>
    %get3A_13 = arith.constant 0 : index
    %get3A_14 = arith.constant 0 : index
    %get3A_15 = vector.load %arg3[%get3A_13, %get3A_14] : memref<2048x768xf32, #tpu.memory_space<vmem>>, vector<2048x64xf32>
    %dot_general3A_16 = arith.constant dense<0.000000e+00> : vector<256x64xf32>
    %dot_general3A_17 = tpu.matmul %div3A_12, %get3A_15, %dot_general3A_16 {dimension_numbers = #tpu.dot_dimension_numbers<[1], [0], [0], [1], [0, 0, 1, 1], [], []>, transpose_lhs_hint = false} : vector<256x2048xf32>, vector<2048x64xf32>, vector<256x64xf32> -> vector<256x64xf32>
    %swap3A = arith.constant 0 : index
    %swap3A_18 = arith.constant 0 : index
    %swap3A_19 = vector.load %arg4[%swap3A, %swap3A_18] : memref<256x768xf32, #tpu.memory_space<vmem>>, vector<256x64xf32>
    tpu.vector_store %arg4[%swap3A, %swap3A_18], %dot_general3A_17 {strides = array<i32>} : memref<256x768xf32, #tpu.memory_space<vmem>>, vector<256x64xf32>,
    %get3A_20 = arith.constant 0 : index
    %get3A_21 = arith.constant 64 : index
    %get3A_22 = vector.load %arg1[%get3A_20, %get3A_21] : memref<256x768xf32, #tpu.memory_space<vmem>>, vector<256x64xf32>
    %get3A_23 = arith.constant 0 : index
    %get3A_24 = arith.constant 64 : index
    %get3A_25 = vector.load %arg2[%get3A_23, %get3A_24] : memref<2048x768xf32, #tpu.memory_space<vmem>>, vector<2048x64xf32>
    %dot_general3A_26 = arith.constant dense<0.000000e+00> : vector<256x2048xf32>
    %dot_general3A_27 = tpu.matmul %get3A_22, %get3A_25, %dot_general3A_26 {dimension_numbers = #tpu.dot_dimension_numbers<[1], [1], [0], [0], [0, 0, 1, 0], [], []>, transpose_lhs_hint = false} : vector<256x64xf32>, vector<2048x64xf32>, vector<256x2048xf32> -> vector<256x2048xf32>
    %mul3A_28 = arith.constant 1.250000e-01 : f32
    %mul3A_29 = vector.broadcast %mul3A_28 : f32 to vector<256x2048xf32>
    %mul3A_30 = arith.mulf %dot_general3A_27, %mul3A_29 : vector<256x2048xf32>
    %reduce_max3A_31 = arith.constant dense<0xFF800000> : vector<256xf32>
    %reduce_max3A_32 = vector.multi_reduction <maximumf>, %mul3A_30, %reduce_max3A_31 [1] : vector<256x2048xf32> to vector<256xf32>
    %broadcast_in_dim3A_33 = vector.shape_cast %reduce_max3A_32 : vector<256xf32> to vector<256x1xf32>
    %sub3A_34 = vector.broadcast %broadcast_in_dim3A_33 : vector<256x1xf32> to vector<256x2048xf32>
    %sub3A_35 = arith.subf %mul3A_30, %sub3A_34 : vector<256x2048xf32>
    %exp3A_36 = math.exp %sub3A_35 : vector<256x2048xf32>
    %reduce_sum3A_37 = arith.constant dense<0.000000e+00> : vector<256xf32>
    %reduce_sum3A_38 = vector.multi_reduction <add>, %exp3A_36, %reduce_sum3A_37 [1] : vector<256x2048xf32> to vector<256xf32>
    %broadcast_in_dim3A_39 = vector.shape_cast %reduce_sum3A_38 : vector<256xf32> to vector<256x1xf32>
    %div3A_40 = vector.broadcast %broadcast_in_dim3A_39 : vector<256x1xf32> to vector<256x2048xf32>
    %div3A_41 = arith.divf %exp3A_36, %div3A_40 : vector<256x2048xf32>
    %get3A_42 = arith.constant 0 : index
    %get3A_43 = arith.constant 64 : index
    %get3A_44 = vector.load %arg3[%get3A_42, %get3A_43] : memref<2048x768xf32, #tpu.memory_space<vmem>>, vector<2048x64xf32>
    %dot_general3A_45 = arith.constant dense<0.000000e+00> : vector<256x64xf32>
    %dot_general3A_46 = tpu.matmul %div3A_41, %get3A_44, %dot_general3A_45 {dimension_numbers = #tpu.dot_dimension_numbers<[1], [0], [0], [1], [0, 0, 1, 1], [], []>, transpose_lhs_hint = false} : vector<256x2048xf32>, vector<2048x64xf32>, vector<256x64xf32> -> vector<256x64xf32>
    %swap3A_47 = arith.constant 0 : index
    %swap3A_48 = arith.constant 64 : index
    %swap3A_49 = vector.load %arg4[%swap3A_47, %swap3A_48] : memref<256x768xf32, #tpu.memory_space<vmem>>, vector<256x64xf32>
    tpu.vector_store %arg4[%swap3A_47, %swap3A_48], %dot_general3A_46 {strides = array<i32>} : memref<256x768xf32, #tpu.memory_space<vmem>>, vector<256x64xf32>,
    %get3A_50 = arith.constant 0 : index
    %get3A_51 = arith.constant 128 : index
    %get3A_52 = vector.load %arg1[%get3A_50, %get3A_51] : memref<256x768xf32, #tpu.memory_space<vmem>>, vector<256x64xf32>
    %get3A_53 = arith.constant 0 : index
    %get3A_54 = arith.constant 128 : index
    %get3A_55 = vector.load %arg2[%get3A_53, %get3A_54] : memref<2048x768xf32, #tpu.memory_space<vmem>>, vector<2048x64xf32>
    %dot_general3A_56 = arith.constant dense<0.000000e+00> : vector<256x2048xf32>
    %dot_general3A_57 = tpu.matmul %get3A_52, %get3A_55, %dot_general3A_56 {dimension_numbers = #tpu.dot_dimension_numbers<[1], [1], [0], [0], [0, 0, 1, 0], [], []>, transpose_lhs_hint = false} : vector<256x64xf32>, vector<2048x64xf32>, vector<256x2048xf32> -> vector<256x2048xf32>
    %mul3A_58 = arith.constant 1.250000e-01 : f32
    %mul3A_59 = vector.broadcast %mul3A_58 : f32 to vector<256x2048xf32>
    %mul3A_60 = arith.mulf %dot_general3A_57, %mul3A_59 : vector<256x2048xf32>
    %reduce_max3A_61 = arith.constant dense<0xFF800000> : vector<256xf32>
    %reduce_max3A_62 = vector.multi_reduction <maximumf>, %mul3A_60, %reduce_max3A_61 [1] : vector<256x2048xf32> to vector<256xf32>
    %broadcast_in_dim3A_63 = vector.shape_cast %reduce_max3A_62 : vector<256xf32> to vector<256x1xf32>
    %sub3A_64 = vector.broadcast %broadcast_in_dim3A_63 : vector<256x1xf32> to vector<256x2048xf32>
    %sub3A_65 = arith.subf %mul3A_60, %sub3A_64 : vector<256x2048xf32>
    %exp3A_66 = math.exp %sub3A_65 : vector<256x2048xf32>
    %reduce_sum3A_67 = arith.constant dense<0.000000e+00> : vector<256xf32>
    %reduce_sum3A_68 = vector.multi_reduction <add>, %exp3A_66, %reduce_sum3A_67 [1] : vector<256x2048xf32> to vector<256xf32>
    %broadcast_in_dim3A_69 = vector.shape_cast %reduce_sum3A_68 : vector<256xf32> to vector<256x1xf32>
    %div3A_70 = vector.broadcast %broadcast_in_dim3A_69 : vector<256x1xf32> to vector<256x2048xf32>
    %div3A_71 = arith.divf %exp3A_66, %div3A_70 : vector<256x2048xf32>
    %get3A_72 = arith.constant 0 : index
    %get3A_73 = arith.constant 128 : index
    %get3A_74 = vector.load %arg3[%get3A_72, %get3A_73] : memref<2048x768xf32, #tpu.memory_space<vmem>>, vector<2048x64xf32>
    %dot_general3A_75 = arith.constant dense<0.000000e+00> : vector<256x64xf32>
    %dot_general3A_76 = tpu.matmul %div3A_71, %get3A_74, %dot_general3A_75 {dimension_numbers = #tpu.dot_dimension_numbers<[1], [0], [0], [1], [0, 0, 1, 1], [], []>, transpose_lhs_hint = false} : vector<256x2048xf32>, vector<2048x64xf32>, vector<256x64xf32> -> vector<256x64xf32>
    %swap3A_77 = arith.constant 0 : index
    %swap3A_78 = arith.constant 128 : index
    %swap3A_79 = vector.load %arg4[%swap3A_77, %swap3A_78] : memref<256x768xf32, #tpu.memory_space<vmem>>, vector<256x64xf32>
    tpu.vector_store %arg4[%swap3A_77, %swap3A_78], %dot_general3A_76 {strides = array<i32>} : memref<256x768xf32, #tpu.memory_space<vmem>>, vector<256x64xf32>,
    %get3A_80 = arith.constant 0 : index
    %get3A_81 = arith.constant 192 : index
    %get3A_82 = vector.load %arg1[%get3A_80, %get3A_81] : memref<256x768xf32, #tpu.memory_space<vmem>>, vector<256x64xf32>
    %get3A_83 = arith.constant 0 : index
    %get3A_84 = arith.constant 192 : index
    %get3A_85 = vector.load %arg2[%get3A_83, %get3A_84] : memref<2048x768xf32, #tpu.memory_space<vmem>>, vector<2048x64xf32>
    %dot_general3A_86 = arith.constant dense<0.000000e+00> : vector<256x2048xf32>
    %dot_general3A_87 = tpu.matmul %get3A_82, %get3A_85, %dot_general3A_86 {dimension_numbers = #tpu.dot_dimension_numbers<[1], [1], [0], [0], [0, 0, 1, 0], [], []>, transpose_lhs_hint = false} : vector<256x64xf32>, vector<2048x64xf32>, vector<256x2048xf32> -> vector<256x2048xf32>
    %mul3A_88 = arith.constant 1.250000e-01 : f32
    %mul3A_89 = vector.broadcast %mul3A_88 : f32 to vector<256x2048xf32>
    %mul3A_90 = arith.mulf %dot_general3A_87, %mul3A_89 : vector<256x2048xf32>
    %reduce_max3A_91 = arith.constant dense<0xFF800000> : vector<256xf32>
    %reduce_max3A_92 = vector.multi_reduction <maximumf>, %mul3A_90, %reduce_max3A_91 [1] : vector<256x2048xf32> to vector<256xf32>
    %broadcast_in_dim3A_93 = vector.shape_cast %reduce_max3A_92 : vector<256xf32> to vector<256x1xf32>
    %sub3A_94 = vector.broadcast %broadcast_in_dim3A_93 : vector<256x1xf32> to vector<256x2048xf32>
    %sub3A_95 = arith.subf %mul3A_90, %sub3A_94 : vector<256x2048xf32>
    %exp3A_96 = math.exp %sub3A_95 : vector<256x2048xf32>
    %reduce_sum3A_97 = arith.constant dense<0.000000e+00> : vector<256xf32>
    %reduce_sum3A_98 = vector.multi_reduction <add>, %exp3A_96, %reduce_sum3A_97 [1] : vector<256x2048xf32> to vector<256xf32>
    %broadcast_in_dim3A_99 = vector.shape_cast %reduce_sum3A_98 : vector<256xf32> to vector<256x1xf32>
    %div3A_100 = vector.broadcast %broadcast_in_dim3A_99 : vector<256x1xf32> to vector<256x2048xf32>
    %div3A_101 = arith.divf %exp3A_96, %div3A_100 : vector<256x2048xf32>
    %get3A_102 = arith.constant 0 : index
    %get3A_103 = arith.constant 192 : index
    %get3A_104 = vector.load %arg3[%get3A_102, %get3A_103] : memref<2048x768xf32, #tpu.memory_space<vmem>>, vector<2048x64xf32>
    %dot_general3A_105 = arith.constant dense<0.000000e+00> : vector<256x64xf32>
    %dot_general3A_106 = tpu.matmul %div3A_101, %get3A_104, %dot_general3A_105 {dimension_numbers = #tpu.dot_dimension_numbers<[1], [0], [0], [1], [0, 0, 1, 1], [], []>, transpose_lhs_hint = false} : vector<256x2048xf32>, vector<2048x64xf32>, vector<256x64xf32> -> vector<256x64xf32>
    %swap3A_107 = arith.constant 0 : index
    %swap3A_108 = arith.constant 192 : index
    %swap3A_109 = vector.load %arg4[%swap3A_107, %swap3A_108] : memref<256x768xf32, #tpu.memory_space<vmem>>, vector<256x64xf32>
    tpu.vector_store %arg4[%swap3A_107, %swap3A_108], %dot_general3A_106 {strides = array<i32>} : memref<256x768xf32, #tpu.memory_space<vmem>>, vector<256x64xf32>,
    %get3A_110 = arith.constant 0 : index
    %get3A_111 = arith.constant 256 : index
    %get3A_112 = vector.load %arg1[%get3A_110, %get3A_111] : memref<256x768xf32, #tpu.memory_space<vmem>>, vector<256x64xf32>
    %get3A_113 = arith.constant 0 : index
    %get3A_114 = arith.constant 256 : index
    %get3A_115 = vector.load %arg2[%get3A_113, %get3A_114] : memref<2048x768xf32, #tpu.memory_space<vmem>>, vector<2048x64xf32>
    %dot_general3A_116 = arith.constant dense<0.000000e+00> : vector<256x2048xf32>
    %dot_general3A_117 = tpu.matmul %get3A_112, %get3A_115, %dot_general3A_116 {dimension_numbers = #tpu.dot_dimension_numbers<[1], [1], [0], [0], [0, 0, 1, 0], [], []>, transpose_lhs_hint = false} : vector<256x64xf32>, vector<2048x64xf32>, vector<256x2048xf32> -> vector<256x2048xf32>
    %mul3A_118 = arith.constant 1.250000e-01 : f32
    %mul3A_119 = vector.broadcast %mul3A_118 : f32 to vector<256x2048xf32>
    %mul3A_120 = arith.mulf %dot_general3A_117, %mul3A_119 : vector<256x2048xf32>
    %reduce_max3A_121 = arith.constant dense<0xFF800000> : vector<256xf32>
    %reduce_max3A_122 = vector.multi_reduction <maximumf>, %mul3A_120, %reduce_max3A_121 [1] : vector<256x2048xf32> to vector<256xf32>
    %broadcast_in_dim3A_123 = vector.shape_cast %reduce_max3A_122 : vector<256xf32> to vector<256x1xf32>
    %sub3A_124 = vector.broadcast %broadcast_in_dim3A_123 : vector<256x1xf32> to vector<256x2048xf32>
    %sub3A_125 = arith.subf %mul3A_120, %sub3A_124 : vector<256x2048xf32>
    %exp3A_126 = math.exp %sub3A_125 : vector<256x2048xf32>
    %reduce_sum3A_127 = arith.constant dense<0.000000e+00> : vector<256xf32>
    %reduce_sum3A_128 = vector.multi_reduction <add>, %exp3A_126, %reduce_sum3A_127 [1] : vector<256x2048xf32> to vector<256xf32>
    %broadcast_in_dim3A_129 = vector.shape_cast %reduce_sum3A_128 : vector<256xf32> to vector<256x1xf32>
    %div3A_130 = vector.broadcast %broadcast_in_dim3A_129 : vector<256x1xf32> to vector<256x2048xf32>
    %div3A_131 = arith.divf %exp3A_126, %div3A_130 : vector<256x2048xf32>
    %get3A_132 = arith.constant 0 : index
    %get3A_133 = arith.constant 256 : index
    %get3A_134 = vector.load %arg3[%get3A_132, %get3A_133] : memref<2048x768xf32, #tpu.memory_space<vmem>>, vector<2048x64xf32>
    %dot_general3A_135 = arith.constant dense<0.000000e+00> : vector<256x64xf32>
    %dot_general3A_136 = tpu.matmul %div3A_131, %get3A_134, %dot_general3A_135 {dimension_numbers = #tpu.dot_dimension_numbers<[1], [0], [0], [1], [0, 0, 1, 1], [], []>, transpose_lhs_hint = false} : vector<256x2048xf32>, vector<2048x64xf32>, vector<256x64xf32> -> vector<256x64xf32>
    %swap3A_137 = arith.constant 0 : index
    %swap3A_138 = arith.constant 256 : index
    %swap3A_139 = vector.load %arg4[%swap3A_137, %swap3A_138] : memref<256x768xf32, #tpu.memory_space<vmem>>, vector<256x64xf32>
    tpu.vector_store %arg4[%swap3A_137, %swap3A_138], %dot_general3A_136 {strides = array<i32>} : memref<256x768xf32, #tpu.memory_space<vmem>>, vector<256x64xf32>,
    %get3A_140 = arith.constant 0 : index
    %get3A_141 = arith.constant 320 : index
    %get3A_142 = vector.load %arg1[%get3A_140, %get3A_141] : memref<256x768xf32, #tpu.memory_space<vmem>>, vector<256x64xf32>
    %get3A_143 = arith.constant 0 : index
    %get3A_144 = arith.constant 320 : index
    %get3A_145 = vector.load %arg2[%get3A_143, %get3A_144] : memref<2048x768xf32, #tpu.memory_space<vmem>>, vector<2048x64xf32>
    %dot_general3A_146 = arith.constant dense<0.000000e+00> : vector<256x2048xf32>
    %dot_general3A_147 = tpu.matmul %get3A_142, %get3A_145, %dot_general3A_146 {dimension_numbers = #tpu.dot_dimension_numbers<[1], [1], [0], [0], [0, 0, 1, 0], [], []>, transpose_lhs_hint = false} : vector<256x64xf32>, vector<2048x64xf32>, vector<256x2048xf32> -> vector<256x2048xf32>
    %mul3A_148 = arith.constant 1.250000e-01 : f32
    %mul3A_149 = vector.broadcast %mul3A_148 : f32 to vector<256x2048xf32>
    %mul3A_150 = arith.mulf %dot_general3A_147, %mul3A_149 : vector<256x2048xf32>
    %reduce_max3A_151 = arith.constant dense<0xFF800000> : vector<256xf32>
    %reduce_max3A_152 = vector.multi_reduction <maximumf>, %mul3A_150, %reduce_max3A_151 [1] : vector<256x2048xf32> to vector<256xf32>
    %broadcast_in_dim3A_153 = vector.shape_cast %reduce_max3A_152 : vector<256xf32> to vector<256x1xf32>
    %sub3A_154 = vector.broadcast %broadcast_in_dim3A_153 : vector<256x1xf32> to vector<256x2048xf32>
    %sub3A_155 = arith.subf %mul3A_150, %sub3A_154 : vector<256x2048xf32>
    %exp3A_156 = math.exp %sub3A_155 : vector<256x2048xf32>
    %reduce_sum3A_157 = arith.constant dense<0.000000e+00> : vector<256xf32>
    %reduce_sum3A_158 = vector.multi_reduction <add>, %exp3A_156, %reduce_sum3A_157 [1] : vector<256x2048xf32> to vector<256xf32>
    %broadcast_in_dim3A_159 = vector.shape_cast %reduce_sum3A_158 : vector<256xf32> to vector<256x1xf32>
    %div3A_160 = vector.broadcast %broadcast_in_dim3A_159 : vector<256x1xf32> to vector<256x2048xf32>
    %div3A_161 = arith.divf %exp3A_156, %div3A_160 : vector<256x2048xf32>
    %get3A_162 = arith.constant 0 : index
    %get3A_163 = arith.constant 320 : index
    %get3A_164 = vector.load %arg3[%get3A_162, %get3A_163] : memref<2048x768xf32, #tpu.memory_space<vmem>>, vector<2048x64xf32>
    %dot_general3A_165 = arith.constant dense<0.000000e+00> : vector<256x64xf32>
    %dot_general3A_166 = tpu.matmul %div3A_161, %get3A_164, %dot_general3A_165 {dimension_numbers = #tpu.dot_dimension_numbers<[1], [0], [0], [1], [0, 0, 1, 1], [], []>, transpose_lhs_hint = false} : vector<256x2048xf32>, vector<2048x64xf32>, vector<256x64xf32> -> vector<256x64xf32>
    %swap3A_167 = arith.constant 0 : index
    %swap3A_168 = arith.constant 320 : index
    %swap3A_169 = vector.load %arg4[%swap3A_167, %swap3A_168] : memref<256x768xf32, #tpu.memory_space<vmem>>, vector<256x64xf32>
    tpu.vector_store %arg4[%swap3A_167, %swap3A_168], %dot_general3A_166 {strides = array<i32>} : memref<256x768xf32, #tpu.memory_space<vmem>>, vector<256x64xf32>,
    %get3A_170 = arith.constant 0 : index
    %get3A_171 = arith.constant 384 : index
    %get3A_172 = vector.load %arg1[%get3A_170, %get3A_171] : memref<256x768xf32, #tpu.memory_space<vmem>>, vector<256x64xf32>
    %get3A_173 = arith.constant 0 : index
    %get3A_174 = arith.constant 384 : index
    %get3A_175 = vector.load %arg2[%get3A_173, %get3A_174] : memref<2048x768xf32, #tpu.memory_space<vmem>>, vector<2048x64xf32>
    %dot_general3A_176 = arith.constant dense<0.000000e+00> : vector<256x2048xf32>
    %dot_general3A_177 = tpu.matmul %get3A_172, %get3A_175, %dot_general3A_176 {dimension_numbers = #tpu.dot_dimension_numbers<[1], [1], [0], [0], [0, 0, 1, 0], [], []>, transpose_lhs_hint = false} : vector<256x64xf32>, vector<2048x64xf32>, vector<256x2048xf32> -> vector<256x2048xf32>
    %mul3A_178 = arith.constant 1.250000e-01 : f32
    %mul3A_179 = vector.broadcast %mul3A_178 : f32 to vector<256x2048xf32>
    %mul3A_180 = arith.mulf %dot_general3A_177, %mul3A_179 : vector<256x2048xf32>
    %reduce_max3A_181 = arith.constant dense<0xFF800000> : vector<256xf32>
    %reduce_max3A_182 = vector.multi_reduction <maximumf>, %mul3A_180, %reduce_max3A_181 [1] : vector<256x2048xf32> to vector<256xf32>
    %broadcast_in_dim3A_183 = vector.shape_cast %reduce_max3A_182 : vector<256xf32> to vector<256x1xf32>
    %sub3A_184 = vector.broadcast %broadcast_in_dim3A_183 : vector<256x1xf32> to vector<256x2048xf32>
    %sub3A_185 = arith.subf %mul3A_180, %sub3A_184 : vector<256x2048xf32>
    %exp3A_186 = math.exp %sub3A_185 : vector<256x2048xf32>
    %reduce_sum3A_187 = arith.constant dense<0.000000e+00> : vector<256xf32>
    %reduce_sum3A_188 = vector.multi_reduction <add>, %exp3A_186, %reduce_sum3A_187 [1] : vector<256x2048xf32> to vector<256xf32>
    %broadcast_in_dim3A_189 = vector.shape_cast %reduce_sum3A_188 : vector<256xf32> to vector<256x1xf32>
    %div3A_190 = vector.broadcast %broadcast_in_dim3A_189 : vector<256x1xf32> to vector<256x2048xf32>
    %div3A_191 = arith.divf %exp3A_186, %div3A_190 : vector<256x2048xf32>
    %get3A_192 = arith.constant 0 : index
    %get3A_193 = arith.constant 384 : index
    %get3A_194 = vector.load %arg3[%get3A_192, %get3A_193] : memref<2048x768xf32, #tpu.memory_space<vmem>>, vector<2048x64xf32>
    %dot_general3A_195 = arith.constant dense<0.000000e+00> : vector<256x64xf32>
    %dot_general3A_196 = tpu.matmul %div3A_191, %get3A_194, %dot_general3A_195 {dimension_numbers = #tpu.dot_dimension_numbers<[1], [0], [0], [1], [0, 0, 1, 1], [], []>, transpose_lhs_hint = false} : vector<256x2048xf32>, vector<2048x64xf32>, vector<256x64xf32> -> vector<256x64xf32>
    %swap3A_197 = arith.constant 0 : index
    %swap3A_198 = arith.constant 384 : index
    %swap3A_199 = vector.load %arg4[%swap3A_197, %swap3A_198] : memref<256x768xf32, #tpu.memory_space<vmem>>, vector<256x64xf32>
    tpu.vector_store %arg4[%swap3A_197, %swap3A_198], %dot_general3A_196 {strides = array<i32>} : memref<256x768xf32, #tpu.memory_space<vmem>>, vector<256x64xf32>,
    %get3A_200 = arith.constant 0 : index
    %get3A_201 = arith.constant 448 : index
    %get3A_202 = vector.load %arg1[%get3A_200, %get3A_201] : memref<256x768xf32, #tpu.memory_space<vmem>>, vector<256x64xf32>
    %get3A_203 = arith.constant 0 : index
    %get3A_204 = arith.constant 448 : index
    %get3A_205 = vector.load %arg2[%get3A_203, %get3A_204] : memref<2048x768xf32, #tpu.memory_space<vmem>>, vector<2048x64xf32>
    %dot_general3A_206 = arith.constant dense<0.000000e+00> : vector<256x2048xf32>
    %dot_general3A_207 = tpu.matmul %get3A_202, %get3A_205, %dot_general3A_206 {dimension_numbers = #tpu.dot_dimension_numbers<[1], [1], [0], [0], [0, 0, 1, 0], [], []>, transpose_lhs_hint = false} : vector<256x64xf32>, vector<2048x64xf32>, vector<256x2048xf32> -> vector<256x2048xf32>
    %mul3A_208 = arith.constant 1.250000e-01 : f32
    %mul3A_209 = vector.broadcast %mul3A_208 : f32 to vector<256x2048xf32>
    %mul3A_210 = arith.mulf %dot_general3A_207, %mul3A_209 : vector<256x2048xf32>
    %reduce_max3A_211 = arith.constant dense<0xFF800000> : vector<256xf32>
    %reduce_max3A_212 = vector.multi_reduction <maximumf>, %mul3A_210, %reduce_max3A_211 [1] : vector<256x2048xf32> to vector<256xf32>
    %broadcast_in_dim3A_213 = vector.shape_cast %reduce_max3A_212 : vector<256xf32> to vector<256x1xf32>
    %sub3A_214 = vector.broadcast %broadcast_in_dim3A_213 : vector<256x1xf32> to vector<256x2048xf32>
    %sub3A_215 = arith.subf %mul3A_210, %sub3A_214 : vector<256x2048xf32>
    %exp3A_216 = math.exp %sub3A_215 : vector<256x2048xf32>
    %reduce_sum3A_217 = arith.constant dense<0.000000e+00> : vector<256xf32>
    %reduce_sum3A_218 = vector.multi_reduction <add>, %exp3A_216, %reduce_sum3A_217 [1] : vector<256x2048xf32> to vector<256xf32>
    %broadcast_in_dim3A_219 = vector.shape_cast %reduce_sum3A_218 : vector<256xf32> to vector<256x1xf32>
    %div3A_220 = vector.broadcast %broadcast_in_dim3A_219 : vector<256x1xf32> to vector<256x2048xf32>
    %div3A_221 = arith.divf %exp3A_216, %div3A_220 : vector<256x2048xf32>
    %get3A_222 = arith.constant 0 : index
    %get3A_223 = arith.constant 448 : index
    %get3A_224 = vector.load %arg3[%get3A_222, %get3A_223] : memref<2048x768xf32, #tpu.memory_space<vmem>>, vector<2048x64xf32>
    %dot_general3A_225 = arith.constant dense<0.000000e+00> : vector<256x64xf32>
    %dot_general3A_226 = tpu.matmul %div3A_221, %get3A_224, %dot_general3A_225 {dimension_numbers = #tpu.dot_dimension_numbers<[1], [0], [0], [1], [0, 0, 1, 1], [], []>, transpose_lhs_hint = false} : vector<256x2048xf32>, vector<2048x64xf32>, vector<256x64xf32> -> vector<256x64xf32>
    %swap3A_227 = arith.constant 0 : index
    %swap3A_228 = arith.constant 448 : index
    %swap3A_229 = vector.load %arg4[%swap3A_227, %swap3A_228] : memref<256x768xf32, #tpu.memory_space<vmem>>, vector<256x64xf32>
    tpu.vector_store %arg4[%swap3A_227, %swap3A_228], %dot_general3A_226 {strides = array<i32>} : memref<256x768xf32, #tpu.memory_space<vmem>>, vector<256x64xf32>,
    %get3A_230 = arith.constant 0 : index
    %get3A_231 = arith.constant 512 : index
    %get3A_232 = vector.load %arg1[%get3A_230, %get3A_231] : memref<256x768xf32, #tpu.memory_space<vmem>>, vector<256x64xf32>
    %get3A_233 = arith.constant 0 : index
    %get3A_234 = arith.constant 512 : index
    %get3A_235 = vector.load %arg2[%get3A_233, %get3A_234] : memref<2048x768xf32, #tpu.memory_space<vmem>>, vector<2048x64xf32>
    %dot_general3A_236 = arith.constant dense<0.000000e+00> : vector<256x2048xf32>
    %dot_general3A_237 = tpu.matmul %get3A_232, %get3A_235, %dot_general3A_236 {dimension_numbers = #tpu.dot_dimension_numbers<[1], [1], [0], [0], [0, 0, 1, 0], [], []>, transpose_lhs_hint = false} : vector<256x64xf32>, vector<2048x64xf32>, vector<256x2048xf32> -> vector<256x2048xf32>
    %mul3A_238 = arith.constant 1.250000e-01 : f32
    %mul3A_239 = vector.broadcast %mul3A_238 : f32 to vector<256x2048xf32>
    %mul3A_240 = arith.mulf %dot_general3A_237, %mul3A_239 : vector<256x2048xf32>
    %reduce_max3A_241 = arith.constant dense<0xFF800000> : vector<256xf32>
    %reduce_max3A_242 = vector.multi_reduction <maximumf>, %mul3A_240, %reduce_max3A_241 [1] : vector<256x2048xf32> to vector<256xf32>
    %broadcast_in_dim3A_243 = vector.shape_cast %reduce_max3A_242 : vector<256xf32> to vector<256x1xf32>
    %sub3A_244 = vector.broadcast %broadcast_in_dim3A_243 : vector<256x1xf32> to vector<256x2048xf32>
    %sub3A_245 = arith.subf %mul3A_240, %sub3A_244 : vector<256x2048xf32>
    %exp3A_246 = math.exp %sub3A_245 : vector<256x2048xf32>
    %reduce_sum3A_247 = arith.constant dense<0.000000e+00> : vector<256xf32>
    %reduce_sum3A_248 = vector.multi_reduction <add>, %exp3A_246, %reduce_sum3A_247 [1] : vector<256x2048xf32> to vector<256xf32>
    %broadcast_in_dim3A_249 = vector.shape_cast %reduce_sum3A_248 : vector<256xf32> to vector<256x1xf32>
    %div3A_250 = vector.broadcast %broadcast_in_dim3A_249 : vector<256x1xf32> to vector<256x2048xf32>
    %div3A_251 = arith.divf %exp3A_246, %div3A_250 : vector<256x2048xf32>
    %get3A_252 = arith.constant 0 : index
    %get3A_253 = arith.constant 512 : index
    %get3A_254 = vector.load %arg3[%get3A_252, %get3A_253] : memref<2048x768xf32, #tpu.memory_space<vmem>>, vector<2048x64xf32>
    %dot_general3A_255 = arith.constant dense<0.000000e+00> : vector<256x64xf32>
    %dot_general3A_256 = tpu.matmul %div3A_251, %get3A_254, %dot_general3A_255 {dimension_numbers = #tpu.dot_dimension_numbers<[1], [0], [0], [1], [0, 0, 1, 1], [], []>, transpose_lhs_hint = false} : vector<256x2048xf32>, vector<2048x64xf32>, vector<256x64xf32> -> vector<256x64xf32>
    %swap3A_257 = arith.constant 0 : index
    %swap3A_258 = arith.constant 512 : index
    %swap3A_259 = vector.load %arg4[%swap3A_257, %swap3A_258] : memref<256x768xf32, #tpu.memory_space<vmem>>, vector<256x64xf32>
    tpu.vector_store %arg4[%swap3A_257, %swap3A_258], %dot_general3A_256 {strides = array<i32>} : memref<256x768xf32, #tpu.memory_space<vmem>>, vector<256x64xf32>,
    %get3A_260 = arith.constant 0 : index
    %get3A_261 = arith.constant 576 : index
    %get3A_262 = vector.load %arg1[%get3A_260, %get3A_261] : memref<256x768xf32, #tpu.memory_space<vmem>>, vector<256x64xf32>
    %get3A_263 = arith.constant 0 : index
    %get3A_264 = arith.constant 576 : index
    %get3A_265 = vector.load %arg2[%get3A_263, %get3A_264] : memref<2048x768xf32, #tpu.memory_space<vmem>>, vector<2048x64xf32>
    %dot_general3A_266 = arith.constant dense<0.000000e+00> : vector<256x2048xf32>
    %dot_general3A_267 = tpu.matmul %get3A_262, %get3A_265, %dot_general3A_266 {dimension_numbers = #tpu.dot_dimension_numbers<[1], [1], [0], [0], [0, 0, 1, 0], [], []>, transpose_lhs_hint = false} : vector<256x64xf32>, vector<2048x64xf32>, vector<256x2048xf32> -> vector<256x2048xf32>
    %mul3A_268 = arith.constant 1.250000e-01 : f32
    %mul3A_269 = vector.broadcast %mul3A_268 : f32 to vector<256x2048xf32>
    %mul3A_270 = arith.mulf %dot_general3A_267, %mul3A_269 : vector<256x2048xf32>
    %reduce_max3A_271 = arith.constant dense<0xFF800000> : vector<256xf32>
    %reduce_max3A_272 = vector.multi_reduction <maximumf>, %mul3A_270, %reduce_max3A_271 [1] : vector<256x2048xf32> to vector<256xf32>
    %broadcast_in_dim3A_273 = vector.shape_cast %reduce_max3A_272 : vector<256xf32> to vector<256x1xf32>
    %sub3A_274 = vector.broadcast %broadcast_in_dim3A_273 : vector<256x1xf32> to vector<256x2048xf32>
    %sub3A_275 = arith.subf %mul3A_270, %sub3A_274 : vector<256x2048xf32>
    %exp3A_276 = math.exp %sub3A_275 : vector<256x2048xf32>
    %reduce_sum3A_277 = arith.constant dense<0.000000e+00> : vector<256xf32>
    %reduce_sum3A_278 = vector.multi_reduction <add>, %exp3A_276, %reduce_sum3A_277 [1] : vector<256x2048xf32> to vector<256xf32>
    %broadcast_in_dim3A_279 = vector.shape_cast %reduce_sum3A_278 : vector<256xf32> to vector<256x1xf32>
    %div3A_280 = vector.broadcast %broadcast_in_dim3A_279 : vector<256x1xf32> to vector<256x2048xf32>
    %div3A_281 = arith.divf %exp3A_276, %div3A_280 : vector<256x2048xf32>
    %get3A_282 = arith.constant 0 : index
    %get3A_283 = arith.constant 576 : index
    %get3A_284 = vector.load %arg3[%get3A_282, %get3A_283] : memref<2048x768xf32, #tpu.memory_space<vmem>>, vector<2048x64xf32>
    %dot_general3A_285 = arith.constant dense<0.000000e+00> : vector<256x64xf32>
    %dot_general3A_286 = tpu.matmul %div3A_281, %get3A_284, %dot_general3A_285 {dimension_numbers = #tpu.dot_dimension_numbers<[1], [0], [0], [1], [0, 0, 1, 1], [], []>, transpose_lhs_hint = false} : vector<256x2048xf32>, vector<2048x64xf32>, vector<256x64xf32> -> vector<256x64xf32>
    %swap3A_287 = arith.constant 0 : index
    %swap3A_288 = arith.constant 576 : index
    %swap3A_289 = vector.load %arg4[%swap3A_287, %swap3A_288] : memref<256x768xf32, #tpu.memory_space<vmem>>, vector<256x64xf32>
    tpu.vector_store %arg4[%swap3A_287, %swap3A_288], %dot_general3A_286 {strides = array<i32>} : memref<256x768xf32, #tpu.memory_space<vmem>>, vector<256x64xf32>,
    %get3A_290 = arith.constant 0 : index
    %get3A_291 = arith.constant 640 : index
    %get3A_292 = vector.load %arg1[%get3A_290, %get3A_291] : memref<256x768xf32, #tpu.memory_space<vmem>>, vector<256x64xf32>
    %get3A_293 = arith.constant 0 : index
    %get3A_294 = arith.constant 640 : index
    %get3A_295 = vector.load %arg2[%get3A_293, %get3A_294] : memref<2048x768xf32, #tpu.memory_space<vmem>>, vector<2048x64xf32>
    %dot_general3A_296 = arith.constant dense<0.000000e+00> : vector<256x2048xf32>
    %dot_general3A_297 = tpu.matmul %get3A_292, %get3A_295, %dot_general3A_296 {dimension_numbers = #tpu.dot_dimension_numbers<[1], [1], [0], [0], [0, 0, 1, 0], [], []>, transpose_lhs_hint = false} : vector<256x64xf32>, vector<2048x64xf32>, vector<256x2048xf32> -> vector<256x2048xf32>
    %mul3A_298 = arith.constant 1.250000e-01 : f32
    %mul3A_299 = vector.broadcast %mul3A_298 : f32 to vector<256x2048xf32>
    %mul3A_300 = arith.mulf %dot_general3A_297, %mul3A_299 : vector<256x2048xf32>
    %reduce_max3A_301 = arith.constant dense<0xFF800000> : vector<256xf32>
    %reduce_max3A_302 = vector.multi_reduction <maximumf>, %mul3A_300, %reduce_max3A_301 [1] : vector<256x2048xf32> to vector<256xf32>
    %broadcast_in_dim3A_303 = vector.shape_cast %reduce_max3A_302 : vector<256xf32> to vector<256x1xf32>
    %sub3A_304 = vector.broadcast %broadcast_in_dim3A_303 : vector<256x1xf32> to vector<256x2048xf32>
    %sub3A_305 = arith.subf %mul3A_300, %sub3A_304 : vector<256x2048xf32>
    %exp3A_306 = math.exp %sub3A_305 : vector<256x2048xf32>
    %reduce_sum3A_307 = arith.constant dense<0.000000e+00> : vector<256xf32>
    %reduce_sum3A_308 = vector.multi_reduction <add>, %exp3A_306, %reduce_sum3A_307 [1] : vector<256x2048xf32> to vector<256xf32>
    %broadcast_in_dim3A_309 = vector.shape_cast %reduce_sum3A_308 : vector<256xf32> to vector<256x1xf32>
    %div3A_310 = vector.broadcast %broadcast_in_dim3A_309 : vector<256x1xf32> to vector<256x2048xf32>
    %div3A_311 = arith.divf %exp3A_306, %div3A_310 : vector<256x2048xf32>
    %get3A_312 = arith.constant 0 : index
    %get3A_313 = arith.constant 640 : index
    %get3A_314 = vector.load %arg3[%get3A_312, %get3A_313] : memref<2048x768xf32, #tpu.memory_space<vmem>>, vector<2048x64xf32>
    %dot_general3A_315 = arith.constant dense<0.000000e+00> : vector<256x64xf32>
    %dot_general3A_316 = tpu.matmul %div3A_311, %get3A_314, %dot_general3A_315 {dimension_numbers = #tpu.dot_dimension_numbers<[1], [0], [0], [1], [0, 0, 1, 1], [], []>, transpose_lhs_hint = false} : vector<256x2048xf32>, vector<2048x64xf32>, vector<256x64xf32> -> vector<256x64xf32>
    %swap3A_317 = arith.constant 0 : index
    %swap3A_318 = arith.constant 640 : index
    %swap3A_319 = vector.load %arg4[%swap3A_317, %swap3A_318] : memref<256x768xf32, #tpu.memory_space<vmem>>, vector<256x64xf32>
    tpu.vector_store %arg4[%swap3A_317, %swap3A_318], %dot_general3A_316 {strides = array<i32>} : memref<256x768xf32, #tpu.memory_space<vmem>>, vector<256x64xf32>,
    %get3A_320 = arith.constant 0 : index
    %get3A_321 = arith.constant 704 : index
    %get3A_322 = vector.load %arg1[%get3A_320, %get3A_321] : memref<256x768xf32, #tpu.memory_space<vmem>>, vector<256x64xf32>
    %get3A_323 = arith.constant 0 : index
    %get3A_324 = arith.constant 704 : index
    %get3A_325 = vector.load %arg2[%get3A_323, %get3A_324] : memref<2048x768xf32, #tpu.memory_space<vmem>>, vector<2048x64xf32>
    %dot_general3A_326 = arith.constant dense<0.000000e+00> : vector<256x2048xf32>
    %dot_general3A_327 = tpu.matmul %get3A_322, %get3A_325, %dot_general3A_326 {dimension_numbers = #tpu.dot_dimension_numbers<[1], [1], [0], [0], [0, 0, 1, 0], [], []>, transpose_lhs_hint = false} : vector<256x64xf32>, vector<2048x64xf32>, vector<256x2048xf32> -> vector<256x2048xf32>
    %mul3A_328 = arith.constant 1.250000e-01 : f32
    %mul3A_329 = vector.broadcast %mul3A_328 : f32 to vector<256x2048xf32>
    %mul3A_330 = arith.mulf %dot_general3A_327, %mul3A_329 : vector<256x2048xf32>
    %reduce_max3A_331 = arith.constant dense<0xFF800000> : vector<256xf32>
    %reduce_max3A_332 = vector.multi_reduction <maximumf>, %mul3A_330, %reduce_max3A_331 [1] : vector<256x2048xf32> to vector<256xf32>
    %broadcast_in_dim3A_333 = vector.shape_cast %reduce_max3A_332 : vector<256xf32> to vector<256x1xf32>
    %sub3A_334 = vector.broadcast %broadcast_in_dim3A_333 : vector<256x1xf32> to vector<256x2048xf32>
    %sub3A_335 = arith.subf %mul3A_330, %sub3A_334 : vector<256x2048xf32>
    %exp3A_336 = math.exp %sub3A_335 : vector<256x2048xf32>
    %reduce_sum3A_337 = arith.constant dense<0.000000e+00> : vector<256xf32>
    %reduce_sum3A_338 = vector.multi_reduction <add>, %exp3A_336, %reduce_sum3A_337 [1] : vector<256x2048xf32> to vector<256xf32>
    %broadcast_in_dim3A_339 = vector.shape_cast %reduce_sum3A_338 : vector<256xf32> to vector<256x1xf32>
    %div3A_340 = vector.broadcast %broadcast_in_dim3A_339 : vector<256x1xf32> to vector<256x2048xf32>
    %div3A_341 = arith.divf %exp3A_336, %div3A_340 : vector<256x2048xf32>
    %get3A_342 = arith.constant 0 : index
    %get3A_343 = arith.constant 704 : index
    %get3A_344 = vector.load %arg3[%get3A_342, %get3A_343] : memref<2048x768xf32, #tpu.memory_space<vmem>>, vector<2048x64xf32>
    %dot_general3A_345 = arith.constant dense<0.000000e+00> : vector<256x64xf32>
    %dot_general3A_346 = tpu.matmul %div3A_341, %get3A_344, %dot_general3A_345 {dimension_numbers = #tpu.dot_dimension_numbers<[1], [0], [0], [1], [0, 0, 1, 1], [], []>, transpose_lhs_hint = false} : vector<256x2048xf32>, vector<2048x64xf32>, vector<256x64xf32> -> vector<256x64xf32>
    %swap3A_347 = arith.constant 0 : index
    %swap3A_348 = arith.constant 704 : index
    %swap3A_349 = vector.load %arg4[%swap3A_347, %swap3A_348] : memref<256x768xf32, #tpu.memory_space<vmem>>, vector<256x64xf32>
    tpu.vector_store %arg4[%swap3A_347, %swap3A_348], %dot_general3A_346 {strides = array<i32>} : memref<256x768xf32, #tpu.memory_space<vmem>>, vector<256x64xf32>,
    return
  }
  func.func @transform_0(%arg0: i32) -> (i32, i32) {
    %c0_i32 = arith.constant 0 : i32
    %c0_i32_0 = arith.constant 0 : i32
    return %arg0, %c0_i32 : i32, i32
  }
  func.func @transform_1(%arg0: i32) -> (i32, i32) {
    %c0_i32 = arith.constant 0 : i32
    %c0_i32_0 = arith.constant 0 : i32
    %c0_i32_1 = arith.constant 0 : i32
    return %c0_i32, %c0_i32_0 : i32, i32
  }
  func.func @transform_2(%arg0: i32) -> (i32, i32) {
    %c0_i32 = arith.constant 0 : i32
    %c0_i32_0 = arith.constant 0 : i32
    %c0_i32_1 = arith.constant 0 : i32
    return %c0_i32, %c0_i32_0 : i32, i32
  }
  func.func @transform_3(%arg0: i32) -> (i32, i32) {
    %c0_i32 = arith.constant 0 : i32
    %c0_i32_0 = arith.constant 0 : i32
    return %arg0, %c0_i32 : i32, i32
  }
}

module attributes {stable_mosaic.version = 14 : i64} {
  func.func @_router_body(%arg0: memref<2048x768xf32, #tpu.memory_space<vmem>>, %arg1: memref<768x8xf32, #tpu.memory_space<vmem>>, %arg2: memref<8xf32, #tpu.memory_space<vmem>>, %arg3: memref<2048x1xi32, #tpu.memory_space<vmem>>, %arg4: memref<2048x1xi32, #tpu.memory_space<vmem>>, %arg5: memref<2048x1xf32, #tpu.memory_space<vmem>>, %arg6: memref<2048x1xf32, #tpu.memory_space<vmem>>, %arg7: memref<24x1xi32, #tpu.memory_space<vmem>>, %arg8: memref<24x1xi32, #tpu.memory_space<vmem>>) attributes {dimension_semantics = [], scalar_prefetch = 0 : i64, scratch_operands = 0 : i64, tpu.core_type = #tpu.core_type<tc>} {
    %get3A = arith.constant 0 : index
    %get3A_0 = arith.constant 0 : index
    %get3A_1 = vector.load %arg0[%get3A, %get3A_0] : memref<2048x768xf32, #tpu.memory_space<vmem>>, vector<2048x768xf32>
    %get3A_2 = arith.constant 0 : index
    %get3A_3 = arith.constant 0 : index
    %get3A_4 = vector.load %arg1[%get3A_2, %get3A_3] : memref<768x8xf32, #tpu.memory_space<vmem>>, vector<768x8xf32>
    %dot_general3A = arith.constant dense<0.000000e+00> : vector<2048x8xf32>
    %dot_general3A_5 = tpu.matmul %get3A_1, %get3A_4, %dot_general3A {dimension_numbers = #tpu.dot_dimension_numbers<[1], [0], [0], [1], [0, 0, 1, 1], [], []>, transpose_lhs_hint = false} : vector<2048x768xf32>, vector<768x8xf32>, vector<2048x8xf32> -> vector<2048x8xf32>
    %get3A_6 = arith.constant 0 : index
    %get3A_7 = vector.load %arg2[%get3A_6] : memref<8xf32, #tpu.memory_space<vmem>>, vector<8xf32>
    %broadcast_in_dim3A = vector.shape_cast %get3A_7 : vector<8xf32> to vector<1x8xf32>
    %add3A = vector.broadcast %broadcast_in_dim3A : vector<1x8xf32> to vector<2048x8xf32>
    %add3A_8 = arith.addf %dot_general3A_5, %add3A : vector<2048x8xf32>
    %iota3A = tpu.iota {dimensions = array<i32: 1>} : vector<2048x8xi32>
    %reduce_max3A = arith.constant dense<0xFF800000> : vector<2048xf32>
    %reduce_max3A_9 = vector.multi_reduction <maximumf>, %add3A_8, %reduce_max3A [1] : vector<2048x8xf32> to vector<2048xf32>
    %broadcast_in_dim3A_10 = vector.shape_cast %reduce_max3A_9 : vector<2048xf32> to vector<2048x1xf32>
    %eq3A = vector.broadcast %broadcast_in_dim3A_10 : vector<2048x1xf32> to vector<2048x8xf32>
    %eq3A_11 = arith.cmpf oeq, %add3A_8, %eq3A : vector<2048x8xf32>
    %jit3A = arith.constant 8 : i32
    %broadcast_in_dim3A_12 = vector.broadcast %jit3A : i32 to vector<2048x8xi32>
    %select_n3A = arith.select %eq3A_11, %iota3A, %broadcast_in_dim3A_12 : vector<2048x8xi1>, vector<2048x8xi32>
    %reduce_min3A = arith.constant dense<2147483647> : vector<2048xi32>
    %reduce_min3A_13 = vector.multi_reduction <minsi>, %select_n3A, %reduce_min3A [1] : vector<2048x8xi32> to vector<2048xi32>
    %broadcast_in_dim3A_14 = vector.shape_cast %reduce_min3A_13 : vector<2048xi32> to vector<2048x1xi32>
    %eq3A_15 = vector.broadcast %broadcast_in_dim3A_14 : vector<2048x1xi32> to vector<2048x8xi32>
    %eq3A_16 = arith.cmpi eq, %iota3A, %eq3A_15 : vector<2048x8xi32>
    %jit3A_17 = arith.constant 0xFF800000 : f32
    %broadcast_in_dim3A_18 = vector.broadcast %jit3A_17 : f32 to vector<2048x8xf32>
    %select_n3A_19 = arith.select %eq3A_16, %broadcast_in_dim3A_18, %add3A_8 : vector<2048x8xi1>, vector<2048x8xf32>
    %reduce_max3A_20 = arith.constant dense<0xFF800000> : vector<2048xf32>
    %reduce_max3A_21 = vector.multi_reduction <maximumf>, %select_n3A_19, %reduce_max3A_20 [1] : vector<2048x8xf32> to vector<2048xf32>
    %broadcast_in_dim3A_22 = vector.shape_cast %reduce_max3A_21 : vector<2048xf32> to vector<2048x1xf32>
    %eq3A_23 = vector.broadcast %broadcast_in_dim3A_22 : vector<2048x1xf32> to vector<2048x8xf32>
    %eq3A_24 = arith.cmpf oeq, %select_n3A_19, %eq3A_23 : vector<2048x8xf32>
    %jit3A_25 = arith.constant 8 : i32
    %broadcast_in_dim3A_26 = vector.broadcast %jit3A_25 : i32 to vector<2048x8xi32>
    %select_n3A_27 = arith.select %eq3A_24, %iota3A, %broadcast_in_dim3A_26 : vector<2048x8xi1>, vector<2048x8xi32>
    %reduce_min3A_28 = arith.constant dense<2147483647> : vector<2048xi32>
    %reduce_min3A_29 = vector.multi_reduction <minsi>, %select_n3A_27, %reduce_min3A_28 [1] : vector<2048x8xi32> to vector<2048xi32>
    %broadcast_in_dim3A_30 = vector.shape_cast %reduce_min3A_29 : vector<2048xi32> to vector<2048x1xi32>
    %eq3A_31 = vector.broadcast %broadcast_in_dim3A_30 : vector<2048x1xi32> to vector<2048x8xi32>
    %eq3A_32 = arith.cmpi eq, %iota3A, %eq3A_31 : vector<2048x8xi32>
    %sub3A = vector.broadcast %broadcast_in_dim3A_10 : vector<2048x1xf32> to vector<2048x8xf32>
    %sub3A_33 = arith.subf %add3A_8, %sub3A : vector<2048x8xf32>
    %exp3A = math.exp %sub3A_33 : vector<2048x8xf32>
    %reduce_sum3A = arith.constant dense<0.000000e+00> : vector<2048xf32>
    %reduce_sum3A_34 = vector.multi_reduction <add>, %exp3A, %reduce_sum3A [1] : vector<2048x8xf32> to vector<2048xf32>
    %broadcast_in_dim3A_35 = vector.shape_cast %reduce_sum3A_34 : vector<2048xf32> to vector<2048x1xf32>
    %div3A = vector.broadcast %broadcast_in_dim3A_35 : vector<2048x1xf32> to vector<2048x8xf32>
    %div3A_36 = arith.divf %exp3A, %div3A : vector<2048x8xf32>
    %jit3A_37 = arith.constant 0.000000e+00 : f32
    %broadcast_in_dim3A_38 = vector.broadcast %jit3A_37 : f32 to vector<2048x8xf32>
    %select_n3A_39 = arith.select %eq3A_16, %div3A_36, %broadcast_in_dim3A_38 : vector<2048x8xi1>, vector<2048x8xf32>
    %reduce_sum3A_40 = arith.constant dense<0.000000e+00> : vector<2048xf32>
    %reduce_sum3A_41 = vector.multi_reduction <add>, %select_n3A_39, %reduce_sum3A_40 [1] : vector<2048x8xf32> to vector<2048xf32>
    %broadcast_in_dim3A_42 = vector.shape_cast %reduce_sum3A_41 : vector<2048xf32> to vector<2048x1xf32>
    %jit3A_43 = arith.constant 0.000000e+00 : f32
    %broadcast_in_dim3A_44 = vector.broadcast %jit3A_43 : f32 to vector<2048x8xf32>
    %select_n3A_45 = arith.select %eq3A_32, %div3A_36, %broadcast_in_dim3A_44 : vector<2048x8xi1>, vector<2048x8xf32>
    %reduce_sum3A_46 = arith.constant dense<0.000000e+00> : vector<2048xf32>
    %reduce_sum3A_47 = vector.multi_reduction <add>, %select_n3A_45, %reduce_sum3A_46 [1] : vector<2048x8xf32> to vector<2048xf32>
    %broadcast_in_dim3A_48 = vector.shape_cast %reduce_sum3A_47 : vector<2048xf32> to vector<2048x1xf32>
    %sub3A_49 = arith.subf %broadcast_in_dim3A_48, %broadcast_in_dim3A_42 : vector<2048x1xf32>
    %exp3A_50 = math.exp %sub3A_49 : vector<2048x1xf32>
    %add3A_51 = arith.constant 1.000000e+00 : f32
    %add3A_52 = vector.broadcast %add3A_51 : f32 to vector<2048x1xf32>
    %add3A_53 = arith.addf %add3A_52, %exp3A_50 : vector<2048x1xf32>
    %div3A_54 = arith.constant 1.000000e+00 : f32
    %div3A_55 = vector.broadcast %div3A_54 : f32 to vector<2048x1xf32>
    %div3A_56 = arith.divf %div3A_55, %add3A_53 : vector<2048x1xf32>
    %swap3A = arith.constant 0 : index
    %swap3A_57 = arith.constant 0 : index
    %swap3A_58 = vector.load %arg5[%swap3A, %swap3A_57] : memref<2048x1xf32, #tpu.memory_space<vmem>>, vector<2048x1xf32>
    tpu.vector_store %arg5[%swap3A, %swap3A_57], %div3A_56 {strides = array<i32>} : memref<2048x1xf32, #tpu.memory_space<vmem>>, vector<2048x1xf32>,
    %add3A_59 = arith.constant 1.000000e+00 : f32
    %add3A_60 = vector.broadcast %add3A_59 : f32 to vector<2048x1xf32>
    %add3A_61 = arith.addf %add3A_60, %exp3A_50 : vector<2048x1xf32>
    %div3A_62 = arith.divf %exp3A_50, %add3A_61 : vector<2048x1xf32>
    %swap3A_63 = arith.constant 0 : index
    %swap3A_64 = arith.constant 0 : index
    %swap3A_65 = vector.load %arg6[%swap3A_63, %swap3A_64] : memref<2048x1xf32, #tpu.memory_space<vmem>>, vector<2048x1xf32>
    tpu.vector_store %arg6[%swap3A_63, %swap3A_64], %div3A_62 {strides = array<i32>} : memref<2048x1xf32, #tpu.memory_space<vmem>>, vector<2048x1xf32>,
    %or3A = arith.ori %eq3A_16, %eq3A_32 : vector<2048x8xi1>
    %jit3A_66 = arith.constant 1.000000e+00 : f32
    %jit3A_67 = arith.constant 0.000000e+00 : f32
    %broadcast_in_dim3A_68 = vector.broadcast %jit3A_66 : f32 to vector<2048x8xf32>
    %broadcast_in_dim3A_69 = vector.broadcast %jit3A_67 : f32 to vector<2048x8xf32>
    %select_n3A_70 = arith.select %or3A, %broadcast_in_dim3A_68, %broadcast_in_dim3A_69 : vector<2048x8xi1>, vector<2048x8xf32>
    %iota3A_71 = tpu.iota {dimensions = array<i32: 0>} : vector<2048x2048xi32>
    %iota3A_72 = tpu.iota {dimensions = array<i32: 1>} : vector<2048x2048xi32>
    %gt3A = arith.cmpi sgt, %iota3A_71, %iota3A_72 : vector<2048x2048xi32>
    %jit3A_73 = arith.constant 1.000000e+00 : f32
    %jit3A_74 = arith.constant 0.000000e+00 : f32
    %broadcast_in_dim3A_75 = vector.broadcast %jit3A_73 : f32 to vector<2048x2048xf32>
    %broadcast_in_dim3A_76 = vector.broadcast %jit3A_74 : f32 to vector<2048x2048xf32>
    %select_n3A_77 = arith.select %gt3A, %broadcast_in_dim3A_75, %broadcast_in_dim3A_76 : vector<2048x2048xi1>, vector<2048x2048xf32>
    %dot_general3A_78 = arith.constant dense<0.000000e+00> : vector<2048x8xf32>
    %dot_general3A_79 = tpu.matmul %select_n3A_77, %select_n3A_70, %dot_general3A_78 {dimension_numbers = #tpu.dot_dimension_numbers<[1], [0], [0], [1], [0, 0, 1, 1], [], []>, transpose_lhs_hint = false} : vector<2048x2048xf32>, vector<2048x8xf32>, vector<2048x8xf32> -> vector<2048x8xf32>
    %reduce_sum3A_80 = arith.constant dense<0.000000e+00> : vector<8xf32>
    %reduce_sum3A_81 = vector.multi_reduction <add>, %select_n3A_70, %reduce_sum3A_80 [0] : vector<2048x8xf32> to vector<8xf32>
    %broadcast_in_dim3A_82 = vector.shape_cast %reduce_sum3A_81 : vector<8xf32> to vector<1x8xf32>
    %add3A_83 = arith.constant 2.550000e+02 : f32
    %add3A_84 = vector.broadcast %add3A_83 : f32 to vector<1x8xf32>
    %add3A_85 = arith.addf %broadcast_in_dim3A_82, %add3A_84 : vector<1x8xf32>
    %mul3A = arith.constant 3.906250e-03 : f32
    %mul3A_86 = vector.broadcast %mul3A : f32 to vector<1x8xf32>
    %mul3A_87 = arith.mulf %add3A_85, %mul3A_86 : vector<1x8xf32>
    %floor3A = math.floor %mul3A_87 : vector<1x8xf32>
    %mul3A_88 = arith.constant 2.560000e+02 : f32
    %mul3A_89 = vector.broadcast %mul3A_88 : f32 to vector<1x8xf32>
    %mul3A_90 = arith.mulf %floor3A, %mul3A_89 : vector<1x8xf32>
    %broadcast_in_dim3A_91 = arith.constant 0.000000e+00 : f32
    %broadcast_in_dim3A_92 = vector.broadcast %broadcast_in_dim3A_91 : f32 to vector<1x8xf32>
    %broadcast_in_dim3A_93 = arith.constant 0.000000e+00 : f32
    %broadcast_in_dim3A_94 = vector.broadcast %broadcast_in_dim3A_93 : f32 to vector<1x1xf32>
    %slice3A = vector.extract_strided_slice %mul3A_90 {offsets = [0, 0], sizes = [1, 7], strides = [1, 1]} : vector<1x8xf32> to vector<1x7xf32>
    %concatenate3A = tpu.concatenate %broadcast_in_dim3A_94, %slice3A in 1 : vector<1x1xf32>, vector<1x7xf32> -> vector<1x8xf32>
    %add3A_95 = arith.addf %broadcast_in_dim3A_92, %concatenate3A : vector<1x8xf32>
    %broadcast_in_dim3A_96 = arith.constant 0.000000e+00 : f32
    %broadcast_in_dim3A_97 = vector.broadcast %broadcast_in_dim3A_96 : f32 to vector<1x2xf32>
    %slice3A_98 = vector.extract_strided_slice %mul3A_90 {offsets = [0, 0], sizes = [1, 6], strides = [1, 1]} : vector<1x8xf32> to vector<1x6xf32>
    %concatenate3A_99 = tpu.concatenate %broadcast_in_dim3A_97, %slice3A_98 in 1 : vector<1x2xf32>, vector<1x6xf32> -> vector<1x8xf32>
    %add3A_100 = arith.addf %add3A_95, %concatenate3A_99 : vector<1x8xf32>
    %broadcast_in_dim3A_101 = arith.constant 0.000000e+00 : f32
    %broadcast_in_dim3A_102 = vector.broadcast %broadcast_in_dim3A_101 : f32 to vector<1x3xf32>
    %slice3A_103 = vector.extract_strided_slice %mul3A_90 {offsets = [0, 0], sizes = [1, 5], strides = [1, 1]} : vector<1x8xf32> to vector<1x5xf32>
    %concatenate3A_104 = tpu.concatenate %broadcast_in_dim3A_102, %slice3A_103 in 1 : vector<1x3xf32>, vector<1x5xf32> -> vector<1x8xf32>
    %add3A_105 = arith.addf %add3A_100, %concatenate3A_104 : vector<1x8xf32>
    %broadcast_in_dim3A_106 = arith.constant 0.000000e+00 : f32
    %broadcast_in_dim3A_107 = vector.broadcast %broadcast_in_dim3A_106 : f32 to vector<1x4xf32>
    %slice3A_108 = vector.extract_strided_slice %mul3A_90 {offsets = [0, 0], sizes = [1, 4], strides = [1, 1]} : vector<1x8xf32> to vector<1x4xf32>
    %concatenate3A_109 = tpu.concatenate %broadcast_in_dim3A_107, %slice3A_108 in 1 : vector<1x4xf32>, vector<1x4xf32> -> vector<1x8xf32>
    %add3A_110 = arith.addf %add3A_105, %concatenate3A_109 : vector<1x8xf32>
    %broadcast_in_dim3A_111 = arith.constant 0.000000e+00 : f32
    %broadcast_in_dim3A_112 = vector.broadcast %broadcast_in_dim3A_111 : f32 to vector<1x5xf32>
    %slice3A_113 = vector.extract_strided_slice %mul3A_90 {offsets = [0, 0], sizes = [1, 3], strides = [1, 1]} : vector<1x8xf32> to vector<1x3xf32>
    %concatenate3A_114 = tpu.concatenate %broadcast_in_dim3A_112, %slice3A_113 in 1 : vector<1x5xf32>, vector<1x3xf32> -> vector<1x8xf32>
    %add3A_115 = arith.addf %add3A_110, %concatenate3A_114 : vector<1x8xf32>
    %broadcast_in_dim3A_116 = arith.constant 0.000000e+00 : f32
    %broadcast_in_dim3A_117 = vector.broadcast %broadcast_in_dim3A_116 : f32 to vector<1x6xf32>
    %slice3A_118 = vector.extract_strided_slice %mul3A_90 {offsets = [0, 0], sizes = [1, 2], strides = [1, 1]} : vector<1x8xf32> to vector<1x2xf32>
    %concatenate3A_119 = tpu.concatenate %broadcast_in_dim3A_117, %slice3A_118 in 1 : vector<1x6xf32>, vector<1x2xf32> -> vector<1x8xf32>
    %add3A_120 = arith.addf %add3A_115, %concatenate3A_119 : vector<1x8xf32>
    %broadcast_in_dim3A_121 = arith.constant 0.000000e+00 : f32
    %broadcast_in_dim3A_122 = vector.broadcast %broadcast_in_dim3A_121 : f32 to vector<1x7xf32>
    %slice3A_123 = vector.extract_strided_slice %mul3A_90 {offsets = [0, 0], sizes = [1, 1], strides = [1, 1]} : vector<1x8xf32> to vector<1x1xf32>
    %concatenate3A_124 = tpu.concatenate %broadcast_in_dim3A_122, %slice3A_123 in 1 : vector<1x7xf32>, vector<1x1xf32> -> vector<1x8xf32>
    %add3A_125 = arith.addf %add3A_120, %concatenate3A_124 : vector<1x8xf32>
    %add3A_126 = vector.broadcast %add3A_125 : vector<1x8xf32> to vector<2048x8xf32>
    %add3A_127 = arith.addf %add3A_126, %dot_general3A_79 : vector<2048x8xf32>
    %jit3A_128 = arith.constant 0.000000e+00 : f32
    %broadcast_in_dim3A_129 = vector.broadcast %jit3A_128 : f32 to vector<2048x8xf32>
    %select_n3A_130 = arith.select %eq3A_16, %add3A_127, %broadcast_in_dim3A_129 : vector<2048x8xi1>, vector<2048x8xf32>
    %reduce_sum3A_131 = arith.constant dense<0.000000e+00> : vector<2048xf32>
    %reduce_sum3A_132 = vector.multi_reduction <add>, %select_n3A_130, %reduce_sum3A_131 [1] : vector<2048x8xf32> to vector<2048xf32>
    %broadcast_in_dim3A_133 = vector.shape_cast %reduce_sum3A_132 : vector<2048xf32> to vector<2048x1xf32>
    %jit3A_134 = arith.constant 0.000000e+00 : f32
    %broadcast_in_dim3A_135 = vector.broadcast %jit3A_134 : f32 to vector<2048x8xf32>
    %select_n3A_136 = arith.select %eq3A_32, %add3A_127, %broadcast_in_dim3A_135 : vector<2048x8xi1>, vector<2048x8xf32>
    %reduce_sum3A_137 = arith.constant dense<0.000000e+00> : vector<2048xf32>
    %reduce_sum3A_138 = vector.multi_reduction <add>, %select_n3A_136, %reduce_sum3A_137 [1] : vector<2048x8xf32> to vector<2048xf32>
    %broadcast_in_dim3A_139 = vector.shape_cast %reduce_sum3A_138 : vector<2048xf32> to vector<2048x1xf32>
    %convert_element_type3A = arith.fptosi %broadcast_in_dim3A_133 : vector<2048x1xf32> to vector<2048x1xi32>
    %swap3A_140 = arith.constant 0 : index
    %swap3A_141 = arith.constant 0 : index
    %swap3A_142 = vector.load %arg3[%swap3A_140, %swap3A_141] : memref<2048x1xi32, #tpu.memory_space<vmem>>, vector<2048x1xi32>
    tpu.vector_store %arg3[%swap3A_140, %swap3A_141], %convert_element_type3A {strides = array<i32>} : memref<2048x1xi32, #tpu.memory_space<vmem>>, vector<2048x1xi32>,
    %convert_element_type3A_143 = arith.fptosi %broadcast_in_dim3A_139 : vector<2048x1xf32> to vector<2048x1xi32>
    %swap3A_144 = arith.constant 0 : index
    %swap3A_145 = arith.constant 0 : index
    %swap3A_146 = vector.load %arg4[%swap3A_144, %swap3A_145] : memref<2048x1xi32, #tpu.memory_space<vmem>>, vector<2048x1xi32>
    tpu.vector_store %arg4[%swap3A_144, %swap3A_145], %convert_element_type3A_143 {strides = array<i32>} : memref<2048x1xi32, #tpu.memory_space<vmem>>, vector<2048x1xi32>,
    %iota3A_147 = tpu.iota {dimensions = array<i32: 0>} : vector<24x8xi32>
    %convert_element_type3A_148 = arith.sitofp %iota3A_147 : vector<24x8xi32> to vector<24x8xf32>
    %mul3A_149 = arith.constant 2.560000e+02 : f32
    %mul3A_150 = vector.broadcast %mul3A_149 : f32 to vector<24x8xf32>
    %mul3A_151 = arith.mulf %convert_element_type3A_148, %mul3A_150 : vector<24x8xf32>
    %iota3A_152 = tpu.iota {dimensions = array<i32: 1>} : vector<24x8xi32>
    %ge3A = vector.broadcast %add3A_125 : vector<1x8xf32> to vector<24x8xf32>
    %ge3A_153 = arith.cmpf oge, %mul3A_151, %ge3A : vector<24x8xf32>
    %add3A_154 = arith.addf %add3A_125, %mul3A_90 : vector<1x8xf32>
    %lt3A = vector.broadcast %add3A_154 : vector<1x8xf32> to vector<24x8xf32>
    %lt3A_155 = arith.cmpf olt, %mul3A_151, %lt3A : vector<24x8xf32>
    %and3A = arith.andi %ge3A_153, %lt3A_155 : vector<24x8xi1>
    %jit3A_156 = arith.constant 0 : i32
    %broadcast_in_dim3A_157 = vector.broadcast %jit3A_156 : i32 to vector<24x8xi32>
    %select_n3A_158 = arith.select %and3A, %iota3A_152, %broadcast_in_dim3A_157 : vector<24x8xi1>, vector<24x8xi32>
    %reduce_sum3A_159 = arith.constant dense<0> : vector<24xi32>
    %reduce_sum3A_160 = vector.multi_reduction <add>, %select_n3A_158, %reduce_sum3A_159 [1] : vector<24x8xi32> to vector<24xi32>
    %broadcast_in_dim3A_161 = vector.shape_cast %reduce_sum3A_160 : vector<24xi32> to vector<24x1xi32>
    %jit3A_162 = arith.constant 1 : i32
    %jit3A_163 = arith.constant 0 : i32
    %broadcast_in_dim3A_164 = vector.broadcast %jit3A_162 : i32 to vector<24x8xi32>
    %broadcast_in_dim3A_165 = vector.broadcast %jit3A_163 : i32 to vector<24x8xi32>
    %select_n3A_166 = arith.select %and3A, %broadcast_in_dim3A_164, %broadcast_in_dim3A_165 : vector<24x8xi1>, vector<24x8xi32>
    %reduce_sum3A_167 = arith.constant dense<0> : vector<24xi32>
    %reduce_sum3A_168 = vector.multi_reduction <add>, %select_n3A_166, %reduce_sum3A_167 [1] : vector<24x8xi32> to vector<24xi32>
    %broadcast_in_dim3A_169 = vector.shape_cast %reduce_sum3A_168 : vector<24xi32> to vector<24x1xi32>
    %jit3A_170 = arith.constant 0 : i32
    %broadcast_in_dim3A_171 = vector.broadcast %jit3A_170 : i32 to vector<24x8xi32>
    %select_n3A_172 = arith.select %and3A, %iota3A_152, %broadcast_in_dim3A_171 : vector<24x8xi1>, vector<24x8xi32>
    %reduce_max3A_173 = vector.shape_cast %select_n3A_172 : vector<24x8xi32> to vector<1x24x8xi32>
    %reduce_max3A_174 = arith.constant dense<-2147483648> : vector<1xi32>
    %reduce_max3A_175 = vector.multi_reduction <maxsi>, %reduce_max3A_173, %reduce_max3A_174 [1, 2] : vector<1x24x8xi32> to vector<1xi32>
    %reduce_max3A_176 = vector.shape_cast %reduce_max3A_175 : vector<1xi32> to vector<1x1x1xi32>
    %reduce_max3A_177 = vector.extract %reduce_max3A_176[0, 0, 0] : i32 from vector<1x1x1xi32>
    %gt3A_178 = arith.constant 0 : i32
    %gt3A_179 = vector.broadcast %gt3A_178 : i32 to vector<24x1xi32>
    %gt3A_180 = arith.cmpi sgt, %broadcast_in_dim3A_169, %gt3A_179 : vector<24x1xi32>
    %broadcast_in_dim3A_181 = vector.broadcast %reduce_max3A_177 : i32 to vector<24x1xi32>
    %select_n3A_182 = arith.select %gt3A_180, %broadcast_in_dim3A_161, %broadcast_in_dim3A_181 : vector<24x1xi1>, vector<24x1xi32>
    %swap3A_183 = arith.constant 0 : index
    %swap3A_184 = arith.constant 0 : index
    %swap3A_185 = vector.load %arg7[%swap3A_183, %swap3A_184] : memref<24x1xi32, #tpu.memory_space<vmem>>, vector<24x1xi32>
    tpu.vector_store %arg7[%swap3A_183, %swap3A_184], %select_n3A_182 {strides = array<i32>} : memref<24x1xi32, #tpu.memory_space<vmem>>, vector<24x1xi32>,
    %swap3A_186 = arith.constant 0 : index
    %swap3A_187 = arith.constant 0 : index
    %swap3A_188 = vector.load %arg8[%swap3A_186, %swap3A_187] : memref<24x1xi32, #tpu.memory_space<vmem>>, vector<24x1xi32>
    tpu.vector_store %arg8[%swap3A_186, %swap3A_187], %broadcast_in_dim3A_169 {strides = array<i32>} : memref<24x1xi32, #tpu.memory_space<vmem>>, vector<24x1xi32>,
    return
  }
}

module attributes {stable_mosaic.version = 14 : i64} {
  func.func @_gmm_body(%arg0: i32, %arg1: memref<24xi32, #tpu.memory_space<smem>>, %arg2: memref<24xi32, #tpu.memory_space<smem>>, %arg3: memref<256x768xf32, #tpu.memory_space<vmem>>, %arg4: memref<1x768x2048xf32, #tpu.memory_space<vmem>>, %arg5: memref<1x1x2048xf32, #tpu.memory_space<vmem>>, %arg6: memref<1x2048x768xf32, #tpu.memory_space<vmem>>, %arg7: memref<1x1x768xf32, #tpu.memory_space<vmem>>, %arg8: memref<256x768xf32, #tpu.memory_space<vmem>>) attributes {dimension_semantics = [#tpu.dimension_semantics<arbitrary>], iteration_bounds = array<i64: 24>, scalar_prefetch = 2 : i64, scratch_operands = 0 : i64, tpu.core_type = #tpu.core_type<tc>, window_params = [{transform_indices = @transform_0, window_bounds = array<i64: 256, 768>}, {transform_indices = @transform_1, window_bounds = array<i64: 1, 768, 2048>}, {transform_indices = @transform_2, window_bounds = array<i64: 1, 1, 2048>}, {transform_indices = @transform_3, window_bounds = array<i64: 1, 2048, 768>}, {transform_indices = @transform_4, window_bounds = array<i64: 1, 1, 768>}, {transform_indices = @transform_5, window_bounds = array<i64: 256, 768>}]} {
    %get3A = arith.index_cast %arg0 : i32 to index
    %get3A_0 = memref.load %arg2[%get3A] : memref<24xi32, #tpu.memory_space<smem>>
    %ne3A = arith.constant 0 : i32
    %ne3A_1 = arith.cmpi ne, %get3A_0, %ne3A : i32
    %convert_element_type3A = arith.extui %ne3A_1 : i1 to i32
    %cond3A = arith.constant 0 : i32
    %cond3A_2 = arith.cmpi ne, %convert_element_type3A, %cond3A : i32
    scf.if %cond3A_2 {
      %get3A_3 = arith.constant 0 : index
      %get3A_4 = arith.constant 0 : index
      %get3A_5 = vector.load %arg3[%get3A_3, %get3A_4] : memref<256x768xf32, #tpu.memory_space<vmem>>, vector<256x768xf32>
      %get3A_6 = arith.constant 0 : index
      %get3A_7 = arith.constant 0 : index
      %get3A_8 = arith.constant 0 : index
      %get3A_9 = vector.load %arg4[%get3A_6, %get3A_7, %get3A_8] : memref<1x768x2048xf32, #tpu.memory_space<vmem>>, vector<1x768x2048xf32>
      %get3A_10 = vector.shape_cast %get3A_9 : vector<1x768x2048xf32> to vector<768x2048xf32>
      %dot_general3A = arith.constant dense<0.000000e+00> : vector<256x2048xf32>
      %dot_general3A_11 = tpu.matmul %get3A_5, %get3A_10, %dot_general3A {dimension_numbers = #tpu.dot_dimension_numbers<[1], [0], [0], [1], [0, 0, 1, 1], [], []>, transpose_lhs_hint = false} : vector<256x768xf32>, vector<768x2048xf32>, vector<256x2048xf32> -> vector<256x2048xf32>
      %get3A_12 = arith.constant 0 : index
      %get3A_13 = arith.constant 0 : index
      %get3A_14 = arith.constant 0 : index
      %get3A_15 = vector.load %arg5[%get3A_12, %get3A_13, %get3A_14] : memref<1x1x2048xf32, #tpu.memory_space<vmem>>, vector<1x1x2048xf32>
      %get3A_16 = vector.shape_cast %get3A_15 : vector<1x1x2048xf32> to vector<1x2048xf32>
      %add3A = vector.broadcast %get3A_16 : vector<1x2048xf32> to vector<256x2048xf32>
      %add3A_17 = arith.addf %dot_general3A_11, %add3A : vector<256x2048xf32>
      %mul3A = arith.constant 5.000000e-01 : f32
      %mul3A_18 = vector.broadcast %mul3A : f32 to vector<256x2048xf32>
      %mul3A_19 = arith.mulf %mul3A_18, %add3A_17 : vector<256x2048xf32>
      %mul3A_20 = arith.constant 0.707106769 : f32
      %mul3A_21 = vector.broadcast %mul3A_20 : f32 to vector<256x2048xf32>
      %mul3A_22 = arith.mulf %add3A_17, %mul3A_21 : vector<256x2048xf32>
      %erf3A = math.erf %mul3A_22 : vector<256x2048xf32>
      %add3A_23 = arith.constant 1.000000e+00 : f32
      %add3A_24 = vector.broadcast %add3A_23 : f32 to vector<256x2048xf32>
      %add3A_25 = arith.addf %add3A_24, %erf3A : vector<256x2048xf32>
      %mul3A_26 = arith.mulf %mul3A_19, %add3A_25 : vector<256x2048xf32>
      %get3A_27 = arith.constant 0 : index
      %get3A_28 = arith.constant 0 : index
      %get3A_29 = arith.constant 0 : index
      %get3A_30 = vector.load %arg6[%get3A_27, %get3A_28, %get3A_29] : memref<1x2048x768xf32, #tpu.memory_space<vmem>>, vector<1x2048x768xf32>
      %get3A_31 = vector.shape_cast %get3A_30 : vector<1x2048x768xf32> to vector<2048x768xf32>
      %dot_general3A_32 = arith.constant dense<0.000000e+00> : vector<256x768xf32>
      %dot_general3A_33 = tpu.matmul %mul3A_26, %get3A_31, %dot_general3A_32 {dimension_numbers = #tpu.dot_dimension_numbers<[1], [0], [0], [1], [0, 0, 1, 1], [], []>, transpose_lhs_hint = false} : vector<256x2048xf32>, vector<2048x768xf32>, vector<256x768xf32> -> vector<256x768xf32>
      %get3A_34 = arith.constant 0 : index
      %get3A_35 = arith.constant 0 : index
      %get3A_36 = arith.constant 0 : index
      %get3A_37 = vector.load %arg7[%get3A_34, %get3A_35, %get3A_36] : memref<1x1x768xf32, #tpu.memory_space<vmem>>, vector<1x1x768xf32>
      %get3A_38 = vector.shape_cast %get3A_37 : vector<1x1x768xf32> to vector<1x768xf32>
      %add3A_39 = vector.broadcast %get3A_38 : vector<1x768xf32> to vector<256x768xf32>
      %add3A_40 = arith.addf %dot_general3A_33, %add3A_39 : vector<256x768xf32>
      %swap3A = arith.constant 0 : index
      %swap3A_41 = arith.constant 0 : index
      %swap3A_42 = vector.load %arg8[%swap3A, %swap3A_41] : memref<256x768xf32, #tpu.memory_space<vmem>>, vector<256x768xf32>
      tpu.vector_store %arg8[%swap3A, %swap3A_41], %add3A_40 {strides = array<i32>} : memref<256x768xf32, #tpu.memory_space<vmem>>, vector<256x768xf32>,
    } else {
    }
    return
  }
  func.func @transform_0(%arg0: i32, %arg1: memref<24xi32, #tpu.memory_space<smem>>, %arg2: memref<24xi32, #tpu.memory_space<smem>>) -> (i32, i32) {
    %c0_i32 = arith.constant 0 : i32
    %c0_i32_0 = arith.constant 0 : i32
    return %arg0, %c0_i32 : i32, i32
  }
  func.func @transform_1(%arg0: i32, %arg1: memref<24xi32, #tpu.memory_space<smem>>, %arg2: memref<24xi32, #tpu.memory_space<smem>>) -> (i32, i32, i32) {
    %get3A = arith.index_cast %arg0 : i32 to index
    %get3A_0 = memref.load %arg1[%get3A] : memref<24xi32, #tpu.memory_space<smem>>
    %c0_i32 = arith.constant 0 : i32
    %c0_i32_1 = arith.constant 0 : i32
    %c0_i32_2 = arith.constant 0 : i32
    return %get3A_0, %c0_i32, %c0_i32_1 : i32, i32, i32
  }
  func.func @transform_2(%arg0: i32, %arg1: memref<24xi32, #tpu.memory_space<smem>>, %arg2: memref<24xi32, #tpu.memory_space<smem>>) -> (i32, i32, i32) {
    %get3A = arith.index_cast %arg0 : i32 to index
    %get3A_0 = memref.load %arg1[%get3A] : memref<24xi32, #tpu.memory_space<smem>>
    %c0_i32 = arith.constant 0 : i32
    %c0_i32_1 = arith.constant 0 : i32
    %c0_i32_2 = arith.constant 0 : i32
    return %get3A_0, %c0_i32, %c0_i32_1 : i32, i32, i32
  }
  func.func @transform_3(%arg0: i32, %arg1: memref<24xi32, #tpu.memory_space<smem>>, %arg2: memref<24xi32, #tpu.memory_space<smem>>) -> (i32, i32, i32) {
    %get3A = arith.index_cast %arg0 : i32 to index
    %get3A_0 = memref.load %arg1[%get3A] : memref<24xi32, #tpu.memory_space<smem>>
    %c0_i32 = arith.constant 0 : i32
    %c0_i32_1 = arith.constant 0 : i32
    %c0_i32_2 = arith.constant 0 : i32
    return %get3A_0, %c0_i32, %c0_i32_1 : i32, i32, i32
  }
  func.func @transform_4(%arg0: i32, %arg1: memref<24xi32, #tpu.memory_space<smem>>, %arg2: memref<24xi32, #tpu.memory_space<smem>>) -> (i32, i32, i32) {
    %get3A = arith.index_cast %arg0 : i32 to index
    %get3A_0 = memref.load %arg1[%get3A] : memref<24xi32, #tpu.memory_space<smem>>
    %c0_i32 = arith.constant 0 : i32
    %c0_i32_1 = arith.constant 0 : i32
    %c0_i32_2 = arith.constant 0 : i32
    return %get3A_0, %c0_i32, %c0_i32_1 : i32, i32, i32
  }
  func.func @transform_5(%arg0: i32, %arg1: memref<24xi32, #tpu.memory_space<smem>>, %arg2: memref<24xi32, #tpu.memory_space<smem>>) -> (i32, i32) {
    %c0_i32 = arith.constant 0 : i32
    %c0_i32_0 = arith.constant 0 : i32
    return %arg0, %c0_i32 : i32, i32
  }
}

module attributes {stable_mosaic.version = 14 : i64} {
  func.func @_combine_ln_body(%arg0: memref<2048x768xf32, #tpu.memory_space<vmem>>, %arg1: memref<2048x768xf32, #tpu.memory_space<vmem>>, %arg2: memref<2048x768xf32, #tpu.memory_space<vmem>>, %arg3: memref<2048x1xf32, #tpu.memory_space<vmem>>, %arg4: memref<2048x1xf32, #tpu.memory_space<vmem>>, %arg5: memref<1x768xf32, #tpu.memory_space<vmem>>, %arg6: memref<1x768xf32, #tpu.memory_space<vmem>>, %arg7: memref<2048x768xf32, #tpu.memory_space<vmem>>) attributes {dimension_semantics = [], scalar_prefetch = 0 : i64, scratch_operands = 0 : i64, tpu.core_type = #tpu.core_type<tc>} {
    %get3A = arith.constant 0 : index
    %get3A_0 = arith.constant 0 : index
    %get3A_1 = vector.load %arg0[%get3A, %get3A_0] : memref<2048x768xf32, #tpu.memory_space<vmem>>, vector<2048x768xf32>
    %get3A_2 = arith.constant 0 : index
    %get3A_3 = arith.constant 0 : index
    %get3A_4 = vector.load %arg3[%get3A_2, %get3A_3] : memref<2048x1xf32, #tpu.memory_space<vmem>>, vector<2048x1xf32>
    %get3A_5 = arith.constant 0 : index
    %get3A_6 = arith.constant 0 : index
    %get3A_7 = vector.load %arg1[%get3A_5, %get3A_6] : memref<2048x768xf32, #tpu.memory_space<vmem>>, vector<2048x768xf32>
    %mul3A = vector.broadcast %get3A_4 : vector<2048x1xf32> to vector<2048x768xf32>
    %mul3A_8 = arith.mulf %mul3A, %get3A_7 : vector<2048x768xf32>
    %add3A = arith.addf %get3A_1, %mul3A_8 : vector<2048x768xf32>
    %get3A_9 = arith.constant 0 : index
    %get3A_10 = arith.constant 0 : index
    %get3A_11 = vector.load %arg4[%get3A_9, %get3A_10] : memref<2048x1xf32, #tpu.memory_space<vmem>>, vector<2048x1xf32>
    %get3A_12 = arith.constant 0 : index
    %get3A_13 = arith.constant 0 : index
    %get3A_14 = vector.load %arg2[%get3A_12, %get3A_13] : memref<2048x768xf32, #tpu.memory_space<vmem>>, vector<2048x768xf32>
    %mul3A_15 = vector.broadcast %get3A_11 : vector<2048x1xf32> to vector<2048x768xf32>
    %mul3A_16 = arith.mulf %mul3A_15, %get3A_14 : vector<2048x768xf32>
    %add3A_17 = arith.addf %add3A, %mul3A_16 : vector<2048x768xf32>
    %reduce_sum3A = arith.constant dense<0.000000e+00> : vector<2048xf32>
    %reduce_sum3A_18 = vector.multi_reduction <add>, %add3A_17, %reduce_sum3A [1] : vector<2048x768xf32> to vector<2048xf32>
    %broadcast_in_dim3A = vector.shape_cast %reduce_sum3A_18 : vector<2048xf32> to vector<2048x1xf32>
    %div3A = arith.constant 7.680000e+02 : f32
    %div3A_19 = vector.broadcast %div3A : f32 to vector<2048x1xf32>
    %div3A_20 = arith.divf %broadcast_in_dim3A, %div3A_19 : vector<2048x1xf32>
    %sub3A = vector.broadcast %div3A_20 : vector<2048x1xf32> to vector<2048x768xf32>
    %sub3A_21 = arith.subf %add3A_17, %sub3A : vector<2048x768xf32>
    %mul3A_22 = arith.mulf %sub3A_21, %sub3A_21 : vector<2048x768xf32>
    %reduce_sum3A_23 = arith.constant dense<0.000000e+00> : vector<2048xf32>
    %reduce_sum3A_24 = vector.multi_reduction <add>, %mul3A_22, %reduce_sum3A_23 [1] : vector<2048x768xf32> to vector<2048xf32>
    %broadcast_in_dim3A_25 = vector.shape_cast %reduce_sum3A_24 : vector<2048xf32> to vector<2048x1xf32>
    %div3A_26 = arith.constant 7.680000e+02 : f32
    %div3A_27 = vector.broadcast %div3A_26 : f32 to vector<2048x1xf32>
    %div3A_28 = arith.divf %broadcast_in_dim3A_25, %div3A_27 : vector<2048x1xf32>
    %add3A_29 = arith.constant 9.99999974E-6 : f32
    %add3A_30 = vector.broadcast %add3A_29 : f32 to vector<2048x1xf32>
    %add3A_31 = arith.addf %div3A_28, %add3A_30 : vector<2048x1xf32>
    %rsqrt3A = math.rsqrt %add3A_31 : vector<2048x1xf32>
    %mul3A_32 = vector.broadcast %rsqrt3A : vector<2048x1xf32> to vector<2048x768xf32>
    %mul3A_33 = arith.mulf %sub3A_21, %mul3A_32 : vector<2048x768xf32>
    %get3A_34 = arith.constant 0 : index
    %get3A_35 = arith.constant 0 : index
    %get3A_36 = vector.load %arg5[%get3A_34, %get3A_35] : memref<1x768xf32, #tpu.memory_space<vmem>>, vector<1x768xf32>
    %mul3A_37 = vector.broadcast %get3A_36 : vector<1x768xf32> to vector<2048x768xf32>
    %mul3A_38 = arith.mulf %mul3A_33, %mul3A_37 : vector<2048x768xf32>
    %get3A_39 = arith.constant 0 : index
    %get3A_40 = arith.constant 0 : index
    %get3A_41 = vector.load %arg6[%get3A_39, %get3A_40] : memref<1x768xf32, #tpu.memory_space<vmem>>, vector<1x768xf32>
    %add3A_42 = vector.broadcast %get3A_41 : vector<1x768xf32> to vector<2048x768xf32>
    %add3A_43 = arith.addf %mul3A_38, %add3A_42 : vector<2048x768xf32>
    %swap3A = arith.constant 0 : index
    %swap3A_44 = arith.constant 0 : index
    %swap3A_45 = vector.load %arg7[%swap3A, %swap3A_44] : memref<2048x768xf32, #tpu.memory_space<vmem>>, vector<2048x768xf32>
    tpu.vector_store %arg7[%swap3A, %swap3A_44], %add3A_43 {strides = array<i32>} : memref<2048x768xf32, #tpu.memory_space<vmem>>, vector<2048x768xf32>,
    return
  }
}

</mosaic_0001>

<sc_bundles>
// kernel: kernel.13.cloned.1.call-start
scs
__scs_entry_jumppad:
0x0: {  	(pc) =	sbr.rel $0x88, $3  }
0x1: {  	(tag) =	ssettag $0x0;
	lr =	simm.s32 $0x1  }
0x2: {  	[smem:$0x3F83] =	sst lr;
	_ =	strace $0xD0000000  }
0x3: {  	_ = 	snop  }
0x4: {  	_ = 	snop  }
0x5: {  	_ = 	snop  }
0x6: {  	_ = 	snop  }
0x7: {  	_ = 	snop  }
__scs_overlays_trampoline_lowered:
0x8: {  	[smem:$0x3F92] =	sst s0  }
0x9: {  	[smem:$0x3F93] =	sst s1  }
0xa: {  	[smem:$0x3F94] =	sst s2  }
0xb: {  	[smem:$0x3F95] =	sst s3  }
0xc: {  	[smem:$0x3F96] =	sst s4  }
0xd: {  	[smem:$0x3F97] =	sst s5  }
0xe: {  	[smem:$0x3F98] =	sst s6  }
0xf: {  	[smem:$0x3F99] =	sst s7  }
0x10: {  	[smem:$0x3F9A] =	sst s8  }
0x11: {  	[smem:$0x3F9B] =	sst s9;
	s0 =	simm.s32 @!p0 $0x0  }
0x12: {  	s1 =	sld [smem:$0x3F81];
	s0 =	simm.s32 @p0 $0x1  }
0x13: {  	[smem:$0x3F9C] =	sst s0;
	s0 =	simm.s32 @!p1 $0x0  }
0x14: {  	s2 =	sld [smem:$0x3F80];
	s0 =	simm.s32 @p1 $0x1  }
0x15: {  	[smem:$0x3F9D] =	sst s0;
	s0 =	simm.s32 @!p2 $0x0  }
0x16: {  	s3 =	sld [smem:$0x3FDB];
	s0 =	simm.s32 @p2 $0x1  }
0x17: {  	s4 =	simm.s32 $0x1BF5;
	[smem:$0x3F9F] =	sst s0  }
0x18: {  	s0 =	sld [smem:$0x3F82];
	_ =	swait.ge [sflag:s4], $0x0  }
0x19: {  	s7 =	sld [smem:$0x3F83]  }
0x1a: {  	s8 =	sadd.s32 $0xFFFFE003, lr  }
0x1b: {  	s9 =	sadd.s32 $0xFFFFFEF7, lr;
	s5 =	simm.s32 $0xFFFFFFFF;
	p2 =	slt.u32 s8, $0xFFFFF086  }
0x1c: {  	p1 =	slt.u32 s9, $0xF7A;
	s5 =	simm.s32 @!p2 $0x0  }
0x1d: {  	s5 =	simm.s32 @p1 $0x1;
	p0 =	seq.s32 s7, s2  }
0x1e: {  	s7 =	smul.u32 @!p0 $0xF7A, s2;
	p2 =	seq.s32 @!p0 s5, $0x0  }
0x1f: {  	s9 =	smul.u32 $0xF7A, s1;
	s8 =	simm.s32 @!p0 $0x1BF5;
	p2 =	por !p2, p0  }
0x20: {  	[sflag:s8] =	ssyncset.s32 @!p0 $0xFFFFF086;
	s6 =	sadd.s32 @!p0 s3, s7;
	s7 =	simm.s32 @!p0 $0x108  }
0x21: {  	s3 =	sadd.s32 s3, s9;
	s6 =	sadd.s32 @!p0 $0x88, s6;
	s7 =	simm.s32 @p2 $0x1082  }
0x22: {  	[simem:s7], [sflag:s8] =	dma.local @!p0 [hbm:s6], $0xF7A  }
0x23: {  	s9 =	sor.u32 $0xD0000000, s2;
	s6 =	simm.s32 $0x108;
	_ =	swait.ge @!p0 [sflag:s8], $0x0  }
0x24: {  	s3 =	sadd.s32 $0x88, s3;
	s6 =	simm.s32 @!p1 $0x1082;
	[sflag:s4] =	ssyncset.s32 $0xFFFFF086  }
0x25: {  	[simem:s6], [sflag:s4] =	dma.local [hbm:s3], $0xF7A  }
0x26: {  	[smem:$0x3F83] =	sst s1;
	(tag) =	ssettag s2;
	_ =	strace s9  }
0x27: {  	s1 =	sld [smem:$0x3F93]  }
0x28: {  	s2 =	sld [smem:$0x3F94]  }
0x29: {  	s4 =	sld [smem:$0x3F96]  }
0x2a: {  	p0 =	seq.s32 s5, $0x0;
	s5 =	sld [smem:$0x3F97]  }
0x2b: {  	s6 =	sld [smem:$0x3F98]  }
0x2c: {  	s7 =	sld [smem:$0x3F99]  }
0x2d: {  	s3 =	simm.s32 $0x108;
	s8 =	sld [smem:$0x3F9A]  }
0x2e: {  	s3 =	simm.s32 @!p0 $0x1082;
	s9 =	sld [smem:$0x3F9B]  }
0x2f: {  	lr =	sadd.s32 s0, s3;
	s0 =	sld [smem:$0x3F92]  }
0x30: {  	s3 =	sld [smem:$0x3F95]  }
0x31: {  	[smem:$0x3F9E] =	sst s10  }
0x32: {  	s10 =	sld [smem:$0x3F9C];
	_ =	sdelay $0x3  }
0x33: {  	p0 =	seq.s32 s10, $0x1;
	s10 =	sld [smem:$0x3F9E];
	_ =	sdelay $0x3  }
0x34: {  	[smem:$0x3F9E] =	sst s10  }
0x35: {  	s10 =	sld [smem:$0x3F9D];
	_ =	sdelay $0x3  }
0x36: {  	p1 =	seq.s32 s10, $0x1;
	s10 =	sld [smem:$0x3F9E];
	_ =	sdelay $0x3  }
0x37: {  	[smem:$0x3F9E] =	sst s10  }
0x38: {  	s10 =	sld [smem:$0x3F9F]  }
0x39: {  	_ = 	snop;
	(pc) =	sbr.ind lr, $3  }
0x3a: {  	_ = 	snop  }
0x3b: {  	_ = 	snop  }
0x3c: {  	p2 =	seq.s32 s10, $0x1;
	s10 =	sld [smem:$0x3F9E]  }
0x3d: {  	_ =	shalt  }
0x3e: {  	_ =	shalt  }
0x3f: {  	_ =	shalt  }
0x40: {  	_ =	shalt  }
0x41: {  	_ =	shalt  }
0x42: {  	_ =	shalt  }
0x43: {  	_ =	shalt  }
0x44: {  	_ =	shalt  }
0x45: {  	_ =	shalt  }
0x46: {  	_ =	shalt  }
0x47: {  	_ =	shalt  }
0x48: {  	_ =	shalt  }
0x49: {  	_ =	shalt  }
0x4a: {  	_ =	shalt  }
0x4b: {  	_ =	shalt  }
0x4c: {  	_ =	shalt  }
0x4d: {  	_ =	shalt  }
0x4e: {  	_ =	shalt  }
0x4f: {  	_ =	shalt  }
0x50: {  	_ =	shalt  }
0x51: {  	_ =	shalt  }
0x52: {  	_ =	shalt  }
0x53: {  	_ =	shalt  }
0x54: {  	_ =	shalt  }
0x55: {  	_ =	shalt  }
0x56: {  	_ =	shalt  }
0x57: {  	_ =	shalt  }
0x58: {  	_ =	shalt  }
0x59: {  	_ =	shalt  }
0x5a: {  	_ =	shalt  }
0x5b: {  	_ =	shalt  }
0x5c: {  	_ =	shalt  }
0x5d: {  	_ =	shalt  }
0x5e: {  	_ =	shalt  }
0x5f: {  	_ =	shalt  }
0x60: {  	_ =	shalt  }
0x61: {  	_ =	shalt  }
0x62: {  	_ =	shalt  }
0x63: {  	_ =	shalt  }
0x64: {  	_ =	shalt  }
0x65: {  	_ =	shalt  }
0x66: {  	_ =	shalt  }
0x67: {  	_ =	shalt  }
0x68: {  	_ =	shalt  }
0x69: {  	_ =	shalt  }
0x6a: {  	_ =	shalt  }
0x6b: {  	_ =	shalt  }
0x6c: {  	_ =	shalt  }
0x6d: {  	_ =	shalt  }
0x6e: {  	_ =	shalt  }
0x6f: {  	_ =	shalt  }
0x70: {  	_ =	shalt  }
0x71: {  	_ =	shalt  }
0x72: {  	_ =	shalt  }
0x73: {  	_ =	shalt  }
0x74: {  	_ =	shalt  }
0x75: {  	_ =	shalt  }
0x76: {  	_ =	shalt  }
0x77: {  	_ =	shalt  }
0x78: {  	_ =	shalt  }
0x79: {  	_ =	shalt  }
0x7a: {  	_ =	shalt  }
0x7b: {  	_ =	shalt  }
0x7c: {  	_ =	shalt  }
0x7d: {  	_ =	shalt  }
0x7e: {  	_ =	shalt  }
0x7f: {  	_ =	shalt  }
0x80: {  	_ =	shalt  }
0x81: {  	_ =	shalt  }
0x82: {  	_ =	shalt  }
0x83: {  	_ =	shalt  }
0x84: {  	_ =	shalt  }
0x85: {  	_ =	shalt  }
0x86: {  	_ =	shalt  }
0x87: {  	_ =	shalt  }
.Lfunc_end0:
.L_simem_size_0:
called_computation_lowered:
.L_overlay_start_0:
0x88: {  	s2 =	sld [smem:$0x3FD9]  }
0x89: {  	s3 =	sld [smem:$0x3FFE];
	_ =	sdelay $0x1  }
0x8a: {  	s1 =	srdreg.scid  }
0x8b: {  	s0 =	sand.u32 $0x1, s1  }
0x8c: {  	s17 =	sshll.u32 s0, $0xA;
	s2 =	sadd.s32 s3, s2  }
0x8d: {  	s2 =	sadd.s32 s2, s17  }
0x8e: {  	[smem:$0x3FAA] =	sst s2  }
0x8f: {  	_ = 	snop  }
0x90: {  	s2 =	sld [smem:$0x3FD0];
	(tm) =	ssettm $0x1  }
0x91: {  	s18 =	sld [smem:$0x3FFB];
	_ =	sdelay $0x3  }
0x92: {  	_ =	strace s18  }
0x93: {  	s3 =	sld [smem:$0x3FFC];
	_ =	sdelay $0x3  }
0x94: {  	_ =	strace s3  }
0x95: {  	s3 =	sld [smem:$0x3FFD];
	_ =	sdelay $0x3  }
0x96: {  	_ =	strace s3  }
0x97: {  	_ =	strace $0x8FFFFFFF  }
0x98: {  	s19 =	sld [smem:$0x3FDB];
	_ =	sdelay $0x1  }
0x99: {  	s4 =	simm.s32 $_scs_section_size  }
0x9a: {  	s5 =	simm.s32 $_size__tile_overlayer_lowered;
	s6 =	simm.s32 $_tile_overlayer_lowered  }
0x9b: {  	s22 =	simm.s32 $0x1BFF;
	s21 =	sshll.u32 s6, $0x1;
	s3 =	sadd.s32 s4, s19  }
0x9c: {  	s7 =	simm.s32 $0x0;
	s20 =	sshll.u32 s5, $0x1;
	s5 =	sadd.s32 s21, s3  }
0x9d: {  	[timem:s7], [sflag:s22] =	dma.local [hbm:s5], s20  }
0x9e: {  	_ =	swait.ge [sflag:s22], s20  }
0x9f: {  	s4 =	ssub.s32 $0x0, s20;
	[sflag:s22] =	ssyncset.done $0x0  }
0xa0: {  	[sflag:s22] =	ssyncadd.s32 s4;
	_ =	sdelay $0x1  }
0xa1: {  	s23 =	simm.s32 $0x1B8B  }
0xa2: {  	_ =	swait.ge [sflag:s23], $0x1  }
0xa3: {  	[sflag:s23] =	ssyncset.done $0x0  }
0xa4: {  	s25 =	simm.s32 $0x1B8E;
	s24 =	sld [smem:$0x3FFE];
	[sflag:s23] =	ssyncadd.s32 $0xFFFFFFFF  }
0xa5: {  	s26 =	simm.s32 $execute0_lowered;
	[smem:$0x3FD2] =	sst s25  }
0xa6: {  	s5 =	sshll.u32 s26, $0x1;
	_ =	strace $0x80000046;
	[dreg:$0x1] =	wrdreg $0xFFFFFFFF  }
0xa7: {  	s28 =	simm.s32 $_size_execute0_lowered;
	s3 =	sadd.s32 s3, s5;
	[dreg:$0x0] =	wrdreg $0x0  }
0xa8: {  	s5 =	sshll.u32 s28, $0x1;
	[dreg:$0x2] =	wrdreg s3  }
0xa9: {  	[dreg:$0x3] =	wrdreg s5  }
0xaa: {  	[dreg:$0x4] =	wrdreg $0xC0  }
0xab: {  	_ =	task [dreg:s7], $0x5FFFF  }
0xac: {  	[dreg:$0x1] =	wrdreg $0xFFFFFFFF  }
0xad: {  	[dreg:$0x0] =	wrdreg $0x60  }
0xae: {  	[dreg:$0x2] =	wrdreg s2  }
0xaf: {  	[dreg:$0x3] =	wrdreg s24  }
0xb0: {  	[dreg:$0x4] =	wrdreg $0x9  }
0xb1: {  	_ =	task.clear_ibuf [dreg:s7], $0x5FFFF;
	_ =	strace $0x90000046  }
0xb2: {  	s29 =	simm.s32 $0x9;
	_ =	strace $0x80000048  }
0xb3: {  	_ =	swait.ge [sflag:s29], $0x1  }
0xb4: {  	[sflag:s29] =	ssyncadd.s32 $0xFFFFFFFF  }
0xb5: {  	_ =	strace $0x90000048  }
0xb6: {  	_ =	sfence  }
0xb7: {  	s30 =	sld [smem:$0x0];
	_ =	sdelay $0x2  }
0xb8: {  	s31 =	sshll.u32 s1, $0xD;
	s1 =	sshrl.u32 s1, $0x2  }
0xb9: {  	s3 =	sand.u32 $0x4000, s31;
	s1 =	sadd.s32 s1, s30  }
0xba: {  	s0 =	sor.u32 s3, s0;
	s1 =	sshll.u32 s1, $0x11  }
0xbb: {  	s0 =	sor.u32 s1, s0  }
0xbc: {  	s0 =	sadd.s32 $0x8F2B, s0  }
0xbd: {  	[sflag:s0] =	ssyncadd.remote.s32 $0x1  }
0xbe: {  	_ =	sfence.sel $0xFFFF  }
0xbf: {  	[dreg:$0x0] =	wrdreg $0xFFFFFFFF;
	(pc) =	sbr.abs _section_cstart, $3  }
0xc0: {  	[dreg:$0x1] =	wrdreg $0xFFFFFFFF  }
0xc1: {  	_ =	task.clear_ibuf [dreg:s7], $0x2FFFF;
	_ =	strace $0x9FFFFFFF  }
0xc2: {  	(tm) =	ssettm $0x7FFFFFFF  }
0xc3: {  	_ =	shalt  }
tec
execute0_lowered:
.L_overlay_start_1:
0x0: {  	(tag) =	ssettag $0x1  }
0x1: {  	s0 =	rddreg [dreg:$0x0];
	s1 =	srdreg.scid  }
0x2: {  	s2 =	stileid.u32;
	s5 =	rddreg [dreg:$0x1]  }
0x3: {  	s8 =	simm.s32 $0x2;
	s10 =	simm.s32 $0x880;
	s11 =	simm.s32 $0x1080  }
0x4: {  	s12 =	simm.s32 $0x1880;
	s13 =	simm.s32 $0x2080;
	s14 =	simm.s32 $0x2880  }
0x5: {  	s15 =	simm.s32 $0x3080;
	s16 =	simm.s32 $0x3880;
	s17 =	simm.s32 $0x4080  }
0x6: {  	s18 =	simm.s32 $0x4880;
	s19 =	simm.s32 $0x5080;
	s20 =	simm.s32 $0x5880  }
0x7: {  	s21 =	simm.s32 $0x6080;
	s22 =	simm.s32 $0x6880;
	s23 =	simm.s32 $0x7080  }
0x8: {  	s28 =	simm.s32 $0x9080;
	s29 =	simm.s32 $0x9880;
	s30 =	simm.s32 $0xA080  }
0x9: {  	s1 =	sand.u32 $0x1, s1;
	s3 =	sshll.u32 s2, $0x1;
	s2 =	simm.s32 $0x0  }
0xa: {  	s31 =	simm.s32 $0xA880;
	s3 =	sor.u32 s1, s3;
	[smem:$0x7FF] =	sst s2  }
0xb: {  	s1 =	ssub.s32 $0x2, s1;
	s4 =	sshll.u32 s3, $0x4;
	s6 =	smul.u32 $0x1800, s3  }
0xc: {  	_ =	strace $0x80000047;
	s3 =	sadd.s32 $0x5600, s5;
	s24 =	sshrl.u32 s1, $0x1  }
0xd: {  	s4 =	sadd.s32 s4, s5;
	s1 =	ssub.s32 s1, s24;
	s24 =	simm.s32 $0x7880  }
0xe: {  	s0 =	sadd.s32 s0, s6;
	s25 =	sadd.s32 $0x5200, s4;
	s26 =	sadd.s32 $0x5400, s4  }
0xf: {  	v2 =	vlaneseq.u32;
	s4 =	sadd.s32 $0x5700, s5;
	s5 =	sadd.s32 $0x5800, s5;
	[dreg:$0x3] =	wrdreg s0  }
0x10: {  	vm0 =	vmmov $0xffff;
	v1 =	vshrl.u32 v2, $0x3;
	s6 =	smax.u32 s1, $0x1;
	s1 =	simm.s32 $0x1;
	[dreg:$0x4] =	wrdreg s25  }
0x11: {  	v0 =	vand.u32 $0x7, v2;
	v2 =	vor.u32 $0x8, v2;
	v1 =	vmul.u32 $0x8, v1;
	[dreg:$0x5] =	wrdreg s26;
	s25 =	simm.s32 $0x8080;
	s26 =	simm.s32 $0x8880  }
.LBB2_1:
0x12: {  	s9 =	rddreg [dreg:$0x3];
	s0 =	simm.s32 $0x80  }
0x13: {  	[tilespmem:s0], [sflag:$0x2] =	stream.linear.gather [hbm4b:s9+s2], $0xC000, $0x38;
	[tilespmem:$0xC080] =	vst v63  }
0x14: {  	_ =	swait.ge [sflag:s8], $0xC000  }
0x15: {  	[sflag:s8] =	ssyncset.done $0x0  }
0x16: {  	s7 =	rddreg [dreg:$0x4];
	[sflag:s8] =	ssyncadd.s32 $0xFFFF4000  }
0x17: {  	[tilespmem:s2], [sflag:$0x2] =	stream.linear.gather [hbm4b:s7+s2], $0x80, $0x38;
	[tilespmem:$0xC080] =	vst v63  }
0x18: {  	_ =	swait.ge [sflag:s8], $0x80  }
0x19: {  	[sflag:s8] =	ssyncset.done $0x0  }
0x1a: {  	[sflag:s8] =	ssyncadd.s32 $0xFFFFFF80  }
0x1b: {  	v3 =	vld [tilespmem:$0x0];
	_ =	sdelay $0x4  }
0x1c: {  	v4 =	vshrl.u32 v3, $0x3  }
0x1d: {  	v4 =	vmul.u32 $0x30, v4  }
0x1e: {  	v3 =	vand.u32 $0x7, v3  }
0x1f: {  	v3 =	vor.u32 v3, v4  }
0x20: {  	v4 =	vperm.xlane v3, v0;
	_ =	sdelay $0x1  }
0x21: {  	v4 =	vadd.s32 v1, v4;
	_ =	sdelay $0x3  }
0x22: {  	v3 =	vperm.xlane v3, v2  }
0x23: {  	[hbm4b:s3+s2] =	stream.indirect_vreg.scatter [tilespmem:s0], [sflag:$0x1], $0x80, v4, vm0, $0xb8;
	[tilespmem:$0xC080] =	vst v63  }
0x24: {  	v3 =	vadd.s32 v1, v3  }
0x25: {  	[hbm4b:s4+s2] =	stream.indirect_vreg.scatter [tilespmem:s10], [sflag:$0x1], $0x80, v4, vm0, $0xb8;
	[tilespmem:$0xC080] =	vst v63  }
0x26: {  	_ = 	snop  }
0x27: {  	[hbm4b:s5+s2] =	stream.indirect_vreg.scatter [tilespmem:s11], [sflag:$0x1], $0x80, v4, vm0, $0xb8;
	[tilespmem:$0xC080] =	vst v63  }
0x28: {  	_ = 	snop  }
0x29: {  	[hbm4b:s3+s2] =	stream.indirect_vreg.scatter [tilespmem:s12], [sflag:$0x1], $0x80, v3, vm0, $0xb8;
	[tilespmem:$0xC080] =	vst v63  }
0x2a: {  	_ = 	snop  }
0x2b: {  	[hbm4b:s4+s2] =	stream.indirect_vreg.scatter [tilespmem:s13], [sflag:$0x1], $0x80, v3, vm0, $0xb8;
	[tilespmem:$0xC080] =	vst v63  }
0x2c: {  	_ = 	snop  }
0x2d: {  	[hbm4b:s5+s2] =	stream.indirect_vreg.scatter [tilespmem:s14], [sflag:$0x1], $0x80, v3, vm0, $0xb8;
	[tilespmem:$0xC080] =	vst v63  }
0x2e: {  	v3 =	vld [tilespmem:$0x10];
	_ =	sdelay $0x4  }
0x2f: {  	v57 =	vshrl.u32 v3, $0x3  }
0x30: {  	v4 =	vmul.u32 $0x30, v57  }
0x31: {  	v3 =	vand.u32 $0x7, v3  }
0x32: {  	v3 =	vor.u32 v3, v4  }
0x33: {  	v4 =	vperm.xlane v3, v0;
	_ =	sdelay $0x1  }
0x34: {  	v4 =	vadd.s32 v1, v4;
	_ =	sdelay $0x3  }
0x35: {  	v3 =	vperm.xlane v3, v2  }
0x36: {  	[hbm4b:s3+s2] =	stream.indirect_vreg.scatter [tilespmem:s15], [sflag:$0x1], $0x80, v4, vm0, $0xb8;
	[tilespmem:$0xC080] =	vst v63  }
0x37: {  	v3 =	vadd.s32 v1, v3  }
0x38: {  	[hbm4b:s4+s2] =	stream.indirect_vreg.scatter [tilespmem:s16], [sflag:$0x1], $0x80, v4, vm0, $0xb8;
	[tilespmem:$0xC080] =	vst v63  }
0x39: {  	_ = 	snop  }
0x3a: {  	[hbm4b:s5+s2] =	stream.indirect_vreg.scatter [tilespmem:s17], [sflag:$0x1], $0x80, v4, vm0, $0xb8;
	[tilespmem:$0xC080] =	vst v63  }
0x3b: {  	_ = 	snop  }
0x3c: {  	[hbm4b:s3+s2] =	stream.indirect_vreg.scatter [tilespmem:s18], [sflag:$0x1], $0x80, v3, vm0, $0xb8;
	[tilespmem:$0xC080] =	vst v63  }
0x3d: {  	_ = 	snop  }
0x3e: {  	[hbm4b:s4+s2] =	stream.indirect_vreg.scatter [tilespmem:s19], [sflag:$0x1], $0x80, v3, vm0, $0xb8;
	[tilespmem:$0xC080] =	vst v63  }
0x3f: {  	_ = 	snop  }
0x40: {  	[hbm4b:s5+s2] =	stream.indirect_vreg.scatter [tilespmem:s20], [sflag:$0x1], $0x80, v3, vm0, $0xb8;
	[tilespmem:$0xC080] =	vst v63  }
0x41: {  	v3 =	vld [tilespmem:$0x20];
	_ =	sdelay $0x4  }
0x42: {  	v58 =	vshrl.u32 v3, $0x3  }
0x43: {  	v4 =	vmul.u32 $0x30, v58  }
0x44: {  	v3 =	vand.u32 $0x7, v3  }
0x45: {  	v3 =	vor.u32 v3, v4  }
0x46: {  	v4 =	vperm.xlane v3, v0;
	_ =	sdelay $0x1  }
0x47: {  	v4 =	vadd.s32 v1, v4;
	_ =	sdelay $0x3  }
0x48: {  	v3 =	vperm.xlane v3, v2  }
0x49: {  	[hbm4b:s3+s2] =	stream.indirect_vreg.scatter [tilespmem:s21], [sflag:$0x1], $0x80, v4, vm0, $0xb8;
	[tilespmem:$0xC080] =	vst v63  }
0x4a: {  	v3 =	vadd.s32 v1, v3  }
0x4b: {  	[hbm4b:s4+s2] =	stream.indirect_vreg.scatter [tilespmem:s22], [sflag:$0x1], $0x80, v4, vm0, $0xb8;
	[tilespmem:$0xC080] =	vst v63  }
0x4c: {  	_ = 	snop  }
0x4d: {  	[hbm4b:s5+s2] =	stream.indirect_vreg.scatter [tilespmem:s23], [sflag:$0x1], $0x80, v4, vm0, $0xb8;
	[tilespmem:$0xC080] =	vst v63  }
0x4e: {  	_ = 	snop  }
0x4f: {  	[hbm4b:s3+s2] =	stream.indirect_vreg.scatter [tilespmem:s24], [sflag:$0x1], $0x80, v3, vm0, $0xb8;
	[tilespmem:$0xC080] =	vst v63  }
0x50: {  	_ = 	snop  }
0x51: {  	[hbm4b:s4+s2] =	stream.indirect_vreg.scatter [tilespmem:s25], [sflag:$0x1], $0x80, v3, vm0, $0xb8;
	[tilespmem:$0xC080] =	vst v63  }
0x52: {  	_ = 	snop  }
0x53: {  	[hbm4b:s5+s2] =	stream.indirect_vreg.scatter [tilespmem:s26], [sflag:$0x1], $0x80, v3, vm0, $0xb8;
	[tilespmem:$0xC080] =	vst v63  }
0x54: {  	v3 =	vld [tilespmem:$0x30];
	_ =	sdelay $0x4  }
0x55: {  	v59 =	vshrl.u32 v3, $0x3  }
0x56: {  	v4 =	vmul.u32 $0x30, v59  }
0x57: {  	v3 =	vand.u32 $0x7, v3  }
0x58: {  	v3 =	vor.u32 v3, v4  }
0x59: {  	v4 =	vperm.xlane v3, v0;
	_ =	sdelay $0x1  }
0x5a: {  	v4 =	vadd.s32 v1, v4;
	_ =	sdelay $0x3  }
0x5b: {  	v3 =	vperm.xlane v3, v2  }
0x5c: {  	[hbm4b:s3+s2] =	stream.indirect_vreg.scatter [tilespmem:s28], [sflag:$0x1], $0x80, v4, vm0, $0xb8;
	[tilespmem:$0xC080] =	vst v63  }
0x5d: {  	v3 =	vadd.s32 v1, v3  }
0x5e: {  	[hbm4b:s4+s2] =	stream.indirect_vreg.scatter [tilespmem:s29], [sflag:$0x1], $0x80, v4, vm0, $0xb8;
	[tilespmem:$0xC080] =	vst v63  }
0x5f: {  	_ = 	snop  }
0x60: {  	[hbm4b:s5+s2] =	stream.indirect_vreg.scatter [tilespmem:s30], [sflag:$0x1], $0x80, v4, vm0, $0xb8;
	[tilespmem:$0xC080] =	vst v63  }
0x61: {  	_ = 	snop  }
0x62: {  	[hbm4b:s3+s2] =	stream.indirect_vreg.scatter [tilespmem:s31], [sflag:$0x1], $0x80, v3, vm0, $0xb8;
	[tilespmem:$0xC080] =	vst v63  }
0x63: {  	s7 =	simm.s32 $0xB080  }
0x64: {  	[hbm4b:s4+s2] =	stream.indirect_vreg.scatter [tilespmem:s7], [sflag:$0x1], $0x80, v3, vm0, $0xb8;
	[tilespmem:$0xC080] =	vst v63  }
0x65: {  	s7 =	simm.s32 $0xB880  }
0x66: {  	[hbm4b:s5+s2] =	stream.indirect_vreg.scatter [tilespmem:s7], [sflag:$0x1], $0x80, v3, vm0, $0xb8;
	[tilespmem:$0xC080] =	vst v63  }
0x67: {  	_ =	swait.ge [sflag:s1], $0xC000  }
0x68: {  	[sflag:s1] =	ssyncset.done $0x0  }
0x69: {  	s9 =	rddreg [dreg:$0x5];
	[sflag:s1] =	ssyncadd.s32 $0xFFFF4000  }
0x6a: {  	[tilespmem:s2], [sflag:$0x2] =	stream.linear.gather [hbm4b:s9+s2], $0x80, $0x38;
	[tilespmem:$0xC080] =	vst v63  }
0x6b: {  	_ =	swait.ge [sflag:s8], $0x80  }
0x6c: {  	[sflag:s8] =	ssyncset.done $0x0  }
0x6d: {  	[sflag:s8] =	ssyncadd.s32 $0xFFFFFF80  }
0x6e: {  	v3 =	vld [tilespmem:$0x0];
	_ =	sdelay $0x4  }
0x6f: {  	v60 =	vshrl.u32 v3, $0x3  }
0x70: {  	v4 =	vmul.u32 $0x30, v60  }
0x71: {  	v3 =	vand.u32 $0x7, v3  }
0x72: {  	v3 =	vor.u32 v3, v4  }
0x73: {  	v4 =	vperm.xlane v3, v0;
	_ =	sdelay $0x1  }
0x74: {  	v4 =	vadd.s32 v1, v4;
	_ =	sdelay $0x3  }
0x75: {  	v3 =	vperm.xlane v3, v2  }
0x76: {  	[hbm4b:s3+s2] =	stream.indirect_vreg.scatter [tilespmem:s0], [sflag:$0x1], $0x80, v4, vm0, $0xb8;
	[tilespmem:$0xC080] =	vst v63  }
0x77: {  	v3 =	vadd.s32 v1, v3  }
0x78: {  	[hbm4b:s4+s2] =	stream.indirect_vreg.scatter [tilespmem:s10], [sflag:$0x1], $0x80, v4, vm0, $0xb8;
	[tilespmem:$0xC080] =	vst v63  }
0x79: {  	_ = 	snop  }
0x7a: {  	[hbm4b:s5+s2] =	stream.indirect_vreg.scatter [tilespmem:s11], [sflag:$0x1], $0x80, v4, vm0, $0xb8;
	[tilespmem:$0xC080] =	vst v63  }
0x7b: {  	_ = 	snop  }
0x7c: {  	[hbm4b:s3+s2] =	stream.indirect_vreg.scatter [tilespmem:s12], [sflag:$0x1], $0x80, v3, vm0, $0xb8;
	[tilespmem:$0xC080] =	vst v63  }
0x7d: {  	_ = 	snop  }
0x7e: {  	[hbm4b:s4+s2] =	stream.indirect_vreg.scatter [tilespmem:s13], [sflag:$0x1], $0x80, v3, vm0, $0xb8;
	[tilespmem:$0xC080] =	vst v63  }
0x7f: {  	_ = 	snop  }
0x80: {  	[hbm4b:s5+s2] =	stream.indirect_vreg.scatter [tilespmem:s14], [sflag:$0x1], $0x80, v3, vm0, $0xb8;
	[tilespmem:$0xC080] =	vst v63  }
0x81: {  	v3 =	vld [tilespmem:$0x10];
	_ =	sdelay $0x4  }
0x82: {  	v61 =	vshrl.u32 v3, $0x3  }
0x83: {  	v4 =	vmul.u32 $0x30, v61  }
0x84: {  	v3 =	vand.u32 $0x7, v3  }
0x85: {  	v3 =	vor.u32 v3, v4  }
0x86: {  	v4 =	vperm.xlane v3, v0;
	_ =	sdelay $0x1  }
0x87: {  	v4 =	vadd.s32 v1, v4;
	_ =	sdelay $0x3  }
0x88: {  	v3 =	vperm.xlane v3, v2  }
0x89: {  	[hbm4b:s3+s2] =	stream.indirect_vreg.scatter [tilespmem:s15], [sflag:$0x1], $0x80, v4, vm0, $0xb8;
	[tilespmem:$0xC080] =	vst v63  }
0x8a: {  	v3 =	vadd.s32 v1, v3  }
0x8b: {  	[hbm4b:s4+s2] =	stream.indirect_vreg.scatter [tilespmem:s16], [sflag:$0x1], $0x80, v4, vm0, $0xb8;
	[tilespmem:$0xC080] =	vst v63  }
0x8c: {  	_ = 	snop  }
0x8d: {  	[hbm4b:s5+s2] =	stream.indirect_vreg.scatter [tilespmem:s17], [sflag:$0x1], $0x80, v4, vm0, $0xb8;
	[tilespmem:$0xC080] =	vst v63  }
0x8e: {  	_ = 	snop  }
0x8f: {  	[hbm4b:s3+s2] =	stream.indirect_vreg.scatter [tilespmem:s18], [sflag:$0x1], $0x80, v3, vm0, $0xb8;
	[tilespmem:$0xC080] =	vst v63  }
0x90: {  	_ = 	snop  }
0x91: {  	[hbm4b:s4+s2] =	stream.indirect_vreg.scatter [tilespmem:s19], [sflag:$0x1], $0x80, v3, vm0, $0xb8;
	[tilespmem:$0xC080] =	vst v63  }
0x92: {  	_ = 	snop  }
0x93: {  	[hbm4b:s5+s2] =	stream.indirect_vreg.scatter [tilespmem:s20], [sflag:$0x1], $0x80, v3, vm0, $0xb8;
	[tilespmem:$0xC080] =	vst v63  }
0x94: {  	v3 =	vld [tilespmem:$0x20];
	_ =	sdelay $0x4  }
0x95: {  	v62 =	vshrl.u32 v3, $0x3  }
0x96: {  	v4 =	vmul.u32 $0x30, v62  }
0x97: {  	v3 =	vand.u32 $0x7, v3  }
0x98: {  	v3 =	vor.u32 v3, v4  }
0x99: {  	v4 =	vperm.xlane v3, v0;
	_ =	sdelay $0x1  }
0x9a: {  	v4 =	vadd.s32 v1, v4;
	_ =	sdelay $0x3  }
0x9b: {  	v3 =	vperm.xlane v3, v2  }
0x9c: {  	[hbm4b:s3+s2] =	stream.indirect_vreg.scatter [tilespmem:s21], [sflag:$0x1], $0x80, v4, vm0, $0xb8;
	[tilespmem:$0xC080] =	vst v63  }
0x9d: {  	v3 =	vadd.s32 v1, v3  }
0x9e: {  	[hbm4b:s4+s2] =	stream.indirect_vreg.scatter [tilespmem:s22], [sflag:$0x1], $0x80, v4, vm0, $0xb8;
	[tilespmem:$0xC080] =	vst v63  }
0x9f: {  	_ = 	snop  }
0xa0: {  	[hbm4b:s5+s2] =	stream.indirect_vreg.scatter [tilespmem:s23], [sflag:$0x1], $0x80, v4, vm0, $0xb8;
	[tilespmem:$0xC080] =	vst v63  }
0xa1: {  	_ = 	snop  }
0xa2: {  	[hbm4b:s3+s2] =	stream.indirect_vreg.scatter [tilespmem:s24], [sflag:$0x1], $0x80, v3, vm0, $0xb8;
	[tilespmem:$0xC080] =	vst v63  }
0xa3: {  	_ = 	snop  }
0xa4: {  	[hbm4b:s4+s2] =	stream.indirect_vreg.scatter [tilespmem:s25], [sflag:$0x1], $0x80, v3, vm0, $0xb8;
	[tilespmem:$0xC080] =	vst v63  }
0xa5: {  	_ = 	snop  }
0xa6: {  	[hbm4b:s5+s2] =	stream.indirect_vreg.scatter [tilespmem:s26], [sflag:$0x1], $0x80, v3, vm0, $0xb8;
	[tilespmem:$0xC080] =	vst v63  }
0xa7: {  	v3 =	vld [tilespmem:$0x30];
	_ =	sdelay $0x4  }
0xa8: {  	v63 =	vshrl.u32 v3, $0x3  }
0xa9: {  	v4 =	vmul.u32 $0x30, v63  }
0xaa: {  	v3 =	vand.u32 $0x7, v3  }
0xab: {  	v3 =	vor.u32 v3, v4  }
0xac: {  	v4 =	vperm.xlane v3, v0;
	_ =	sdelay $0x1  }
0xad: {  	v4 =	vadd.s32 v1, v4;
	_ =	sdelay $0x3  }
0xae: {  	v3 =	vperm.xlane v3, v2  }
0xaf: {  	[hbm4b:s3+s2] =	stream.indirect_vreg.scatter [tilespmem:s28], [sflag:$0x1], $0x80, v4, vm0, $0xb8;
	[tilespmem:$0xC080] =	vst v63  }
0xb0: {  	v3 =	vadd.s32 v1, v3  }
0xb1: {  	[hbm4b:s4+s2] =	stream.indirect_vreg.scatter [tilespmem:s29], [sflag:$0x1], $0x80, v4, vm0, $0xb8;
	[tilespmem:$0xC080] =	vst v63  }
0xb2: {  	_ = 	snop  }
0xb3: {  	[hbm4b:s5+s2] =	stream.indirect_vreg.scatter [tilespmem:s30], [sflag:$0x1], $0x80, v4, vm0, $0xb8;
	[tilespmem:$0xC080] =	vst v63  }
0xb4: {  	_ = 	snop  }
0xb5: {  	[hbm4b:s3+s2] =	stream.indirect_vreg.scatter [tilespmem:s31], [sflag:$0x1], $0x80, v3, vm0, $0xb8;
	[tilespmem:$0xC080] =	vst v63  }
0xb6: {  	p0 =	sne.s32 s6, $0x1;
	s9 =	simm.s32 $0xB080  }
0xb7: {  	[hbm4b:s4+s2] =	stream.indirect_vreg.scatter [tilespmem:s9], [sflag:$0x1], $0x80, v3, vm0, $0xb8;
	[tilespmem:$0xC080] =	vst v63  }
.Ltmp0:
0xb8: {  	_ = 	snop;
	(pc) =	sbr.rel @p0 .LBB2_1-.Ltmp0, $4  }
0xb9: {  	[hbm4b:s5+s2] =	stream.indirect_vreg.scatter [tilespmem:s7], [sflag:$0x1], $0x80, v3, vm0, $0xb8;
	[tilespmem:$0xC080] =	vst v63  }
0xba: {  	_ =	swait.ge [sflag:s1], $0xC000  }
0xbb: {  	[sflag:s1] =	ssyncset.done $0x0  }
0xbc: {  	s6 =	sadd.s32 $0xFFFFFFFF, s6;
	[sflag:s1] =	ssyncadd.s32 $0xFFFF4000  }
0xbd: {  	_ =	sfence.sel $0x180000  }
0xbe: {  	[bflag:$0x0] =	sbarrier.arrive $0xFFFF  }
0xbf: {  	_ =	strace $0x90000047  }
0xc0: {  	s0 =	stileid.u32;
	[bflag:$0x2] =	sbarrier.arrive $0xFFFF  }
0xc1: {  	p0 =	sne.s32 s0, $0x0;
	s0 =	rddreg [dreg:$0x2]  }
0xc2: {  	s0 =	sadd.s32 @!p0 $0x100000, s0  }
0xc3: {  	[sflag:s0] =	ssyncadd.tile.s32 @!p0 $0x1;
	_ =	shalt  }
.Lfunc_end2:
_tile_overlayer_lowered:
.L_overlay_start_2:
0xc4: {  	(tag) =	ssettag $0x2  }
0xc5: {  	s0 =	rddreg [dreg:$0x0];
	s2 =	stileid.u32  }
0xc6: {  	s1 =	rddreg [dreg:$0x1];
	p0 =	sne.s32 s2, $0x0  }
0xc7: {  	s3 =	rddreg [dreg:$0x2];
	[bflag:$0x3] =	sbarrier.arrive $0xFFFF;
	s2 =	simm.s32 @!p0 $0x1C02  }
0xc8: {  	[timem:s3], [sflag:s2] =	dma.local @!p0 [hbm:s0], s1  }
0xc9: {  	s0 =	simm.s32 @!p0 $0x2  }
0xca: {  	_ =	swait.ge @!p0 [sflag:s0], s1  }
0xcb: {  	s1 =	ssub.s32 @!p0 $0x0, s1;
	[sflag:s0] =	ssyncset.done @!p0 $0x0  }
0xcc: {  	[sflag:s0] =	ssyncadd.s32 @!p0 s1  }
0xcd: {  	[bflag:$0x3] =	sbarrier.arrive $0xFFFF  }
0xce: {  	_ =	shalt  }

// kernel: kernel.16.cloned.1.call-start
scs
__scs_entry_jumppad:
0x0: {  	(pc) =	sbr.rel $0x88, $3  }
0x1: {  	(tag) =	ssettag $0x0;
	lr =	simm.s32 $0x1  }
0x2: {  	[smem:$0x3F83] =	sst lr;
	_ =	strace $0xD0000000  }
0x3: {  	_ = 	snop  }
0x4: {  	_ = 	snop  }
0x5: {  	_ = 	snop  }
0x6: {  	_ = 	snop  }
0x7: {  	_ = 	snop  }
__scs_overlays_trampoline_lowered:
0x8: {  	[smem:$0x3F92] =	sst s0  }
0x9: {  	[smem:$0x3F93] =	sst s1  }
0xa: {  	[smem:$0x3F94] =	sst s2  }
0xb: {  	[smem:$0x3F95] =	sst s3  }
0xc: {  	[smem:$0x3F96] =	sst s4  }
0xd: {  	[smem:$0x3F97] =	sst s5  }
0xe: {  	[smem:$0x3F98] =	sst s6  }
0xf: {  	[smem:$0x3F99] =	sst s7  }
0x10: {  	[smem:$0x3F9A] =	sst s8  }
0x11: {  	[smem:$0x3F9B] =	sst s9;
	s0 =	simm.s32 @!p0 $0x0  }
0x12: {  	s1 =	sld [smem:$0x3F81];
	s0 =	simm.s32 @p0 $0x1  }
0x13: {  	[smem:$0x3F9C] =	sst s0;
	s0 =	simm.s32 @!p1 $0x0  }
0x14: {  	s2 =	sld [smem:$0x3F80];
	s0 =	simm.s32 @p1 $0x1  }
0x15: {  	[smem:$0x3F9D] =	sst s0;
	s0 =	simm.s32 @!p2 $0x0  }
0x16: {  	s3 =	sld [smem:$0x3FDB];
	s0 =	simm.s32 @p2 $0x1  }
0x17: {  	s4 =	simm.s32 $0x1BF5;
	[smem:$0x3F9F] =	sst s0  }
0x18: {  	s0 =	sld [smem:$0x3F82];
	_ =	swait.ge [sflag:s4], $0x0  }
0x19: {  	s7 =	sld [smem:$0x3F83]  }
0x1a: {  	s8 =	sadd.s32 $0xFFFFE003, lr  }
0x1b: {  	s9 =	sadd.s32 $0xFFFFFEF7, lr;
	s5 =	simm.s32 $0xFFFFFFFF;
	p2 =	slt.u32 s8, $0xFFFFF086  }
0x1c: {  	p1 =	slt.u32 s9, $0xF7A;
	s5 =	simm.s32 @!p2 $0x0  }
0x1d: {  	s5 =	simm.s32 @p1 $0x1;
	p0 =	seq.s32 s7, s2  }
0x1e: {  	s7 =	smul.u32 @!p0 $0xF7A, s2;
	p2 =	seq.s32 @!p0 s5, $0x0  }
0x1f: {  	s9 =	smul.u32 $0xF7A, s1;
	s8 =	simm.s32 @!p0 $0x1BF5;
	p2 =	por !p2, p0  }
0x20: {  	[sflag:s8] =	ssyncset.s32 @!p0 $0xFFFFF086;
	s6 =	sadd.s32 @!p0 s3, s7;
	s7 =	simm.s32 @!p0 $0x108  }
0x21: {  	s3 =	sadd.s32 s3, s9;
	s6 =	sadd.s32 @!p0 $0x88, s6;
	s7 =	simm.s32 @p2 $0x1082  }
0x22: {  	[simem:s7], [sflag:s8] =	dma.local @!p0 [hbm:s6], $0xF7A  }
0x23: {  	s9 =	sor.u32 $0xD0000000, s2;
	s6 =	simm.s32 $0x108;
	_ =	swait.ge @!p0 [sflag:s8], $0x0  }
0x24: {  	s3 =	sadd.s32 $0x88, s3;
	s6 =	simm.s32 @!p1 $0x1082;
	[sflag:s4] =	ssyncset.s32 $0xFFFFF086  }
0x25: {  	[simem:s6], [sflag:s4] =	dma.local [hbm:s3], $0xF7A  }
0x26: {  	[smem:$0x3F83] =	sst s1;
	(tag) =	ssettag s2;
	_ =	strace s9  }
0x27: {  	s1 =	sld [smem:$0x3F93]  }
0x28: {  	s2 =	sld [smem:$0x3F94]  }
0x29: {  	s4 =	sld [smem:$0x3F96]  }
0x2a: {  	p0 =	seq.s32 s5, $0x0;
	s5 =	sld [smem:$0x3F97]  }
0x2b: {  	s6 =	sld [smem:$0x3F98]  }
0x2c: {  	s7 =	sld [smem:$0x3F99]  }
0x2d: {  	s3 =	simm.s32 $0x108;
	s8 =	sld [smem:$0x3F9A]  }
0x2e: {  	s3 =	simm.s32 @!p0 $0x1082;
	s9 =	sld [smem:$0x3F9B]  }
0x2f: {  	lr =	sadd.s32 s0, s3;
	s0 =	sld [smem:$0x3F92]  }
0x30: {  	s3 =	sld [smem:$0x3F95]  }
0x31: {  	[smem:$0x3F9E] =	sst s10  }
0x32: {  	s10 =	sld [smem:$0x3F9C];
	_ =	sdelay $0x3  }
0x33: {  	p0 =	seq.s32 s10, $0x1;
	s10 =	sld [smem:$0x3F9E];
	_ =	sdelay $0x3  }
0x34: {  	[smem:$0x3F9E] =	sst s10  }
0x35: {  	s10 =	sld [smem:$0x3F9D];
	_ =	sdelay $0x3  }
0x36: {  	p1 =	seq.s32 s10, $0x1;
	s10 =	sld [smem:$0x3F9E];
	_ =	sdelay $0x3  }
0x37: {  	[smem:$0x3F9E] =	sst s10  }
0x38: {  	s10 =	sld [smem:$0x3F9F]  }
0x39: {  	_ = 	snop;
	(pc) =	sbr.ind lr, $3  }
0x3a: {  	_ = 	snop  }
0x3b: {  	_ = 	snop  }
0x3c: {  	p2 =	seq.s32 s10, $0x1;
	s10 =	sld [smem:$0x3F9E]  }
0x3d: {  	_ =	shalt  }
0x3e: {  	_ =	shalt  }
0x3f: {  	_ =	shalt  }
0x40: {  	_ =	shalt  }
0x41: {  	_ =	shalt  }
0x42: {  	_ =	shalt  }
0x43: {  	_ =	shalt  }
0x44: {  	_ =	shalt  }
0x45: {  	_ =	shalt  }
0x46: {  	_ =	shalt  }
0x47: {  	_ =	shalt  }
0x48: {  	_ =	shalt  }
0x49: {  	_ =	shalt  }
0x4a: {  	_ =	shalt  }
0x4b: {  	_ =	shalt  }
0x4c: {  	_ =	shalt  }
0x4d: {  	_ =	shalt  }
0x4e: {  	_ =	shalt  }
0x4f: {  	_ =	shalt  }
0x50: {  	_ =	shalt  }
0x51: {  	_ =	shalt  }
0x52: {  	_ =	shalt  }
0x53: {  	_ =	shalt  }
0x54: {  	_ =	shalt  }
0x55: {  	_ =	shalt  }
0x56: {  	_ =	shalt  }
0x57: {  	_ =	shalt  }
0x58: {  	_ =	shalt  }
0x59: {  	_ =	shalt  }
0x5a: {  	_ =	shalt  }
0x5b: {  	_ =	shalt  }
0x5c: {  	_ =	shalt  }
0x5d: {  	_ =	shalt  }
0x5e: {  	_ =	shalt  }
0x5f: {  	_ =	shalt  }
0x60: {  	_ =	shalt  }
0x61: {  	_ =	shalt  }
0x62: {  	_ =	shalt  }
0x63: {  	_ =	shalt  }
0x64: {  	_ =	shalt  }
0x65: {  	_ =	shalt  }
0x66: {  	_ =	shalt  }
0x67: {  	_ =	shalt  }
0x68: {  	_ =	shalt  }
0x69: {  	_ =	shalt  }
0x6a: {  	_ =	shalt  }
0x6b: {  	_ =	shalt  }
0x6c: {  	_ =	shalt  }
0x6d: {  	_ =	shalt  }
0x6e: {  	_ =	shalt  }
0x6f: {  	_ =	shalt  }
0x70: {  	_ =	shalt  }
0x71: {  	_ =	shalt  }
0x72: {  	_ =	shalt  }
0x73: {  	_ =	shalt  }
0x74: {  	_ =	shalt  }
0x75: {  	_ =	shalt  }
0x76: {  	_ =	shalt  }
0x77: {  	_ =	shalt  }
0x78: {  	_ =	shalt  }
0x79: {  	_ =	shalt  }
0x7a: {  	_ =	shalt  }
0x7b: {  	_ =	shalt  }
0x7c: {  	_ =	shalt  }
0x7d: {  	_ =	shalt  }
0x7e: {  	_ =	shalt  }
0x7f: {  	_ =	shalt  }
0x80: {  	_ =	shalt  }
0x81: {  	_ =	shalt  }
0x82: {  	_ =	shalt  }
0x83: {  	_ =	shalt  }
0x84: {  	_ =	shalt  }
0x85: {  	_ =	shalt  }
0x86: {  	_ =	shalt  }
0x87: {  	_ =	shalt  }
.Lfunc_end0:
.L_simem_size_0:
called_computation.1_lowered:
.L_overlay_start_0:
0x88: {  	s2 =	sld [smem:$0x3FD9]  }
0x89: {  	s3 =	sld [smem:$0x3FFE];
	_ =	sdelay $0x1  }
0x8a: {  	s1 =	srdreg.scid  }
0x8b: {  	s0 =	sand.u32 $0x1, s1  }
0x8c: {  	s16 =	sshll.u32 s0, $0xA;
	s2 =	sadd.s32 s3, s2  }
0x8d: {  	s2 =	sadd.s32 s2, s16  }
0x8e: {  	[smem:$0x3FAA] =	sst s2  }
0x8f: {  	_ = 	snop  }
0x90: {  	(tm) =	ssettm $0x1  }
0x91: {  	s17 =	sld [smem:$0x3FFB];
	_ =	sdelay $0x3  }
0x92: {  	_ =	strace s17  }
0x93: {  	s2 =	sld [smem:$0x3FFC];
	_ =	sdelay $0x3  }
0x94: {  	_ =	strace s2  }
0x95: {  	s2 =	sld [smem:$0x3FFD];
	_ =	sdelay $0x3  }
0x96: {  	_ =	strace s2  }
0x97: {  	_ =	strace $0x8FFFFFFF  }
0x98: {  	s18 =	sld [smem:$0x3FDB];
	_ =	sdelay $0x1  }
0x99: {  	s19 =	simm.s32 $_scs_section_size  }
0x9a: {  	s4 =	simm.s32 $_size__tile_overlayer_lowered;
	s5 =	simm.s32 $_tile_overlayer_lowered  }
0x9b: {  	s22 =	simm.s32 $0x1BFF;
	s21 =	sshll.u32 s5, $0x1;
	s2 =	sadd.s32 s19, s18  }
0x9c: {  	s6 =	simm.s32 $0x0;
	s20 =	sshll.u32 s4, $0x1;
	s4 =	sadd.s32 s21, s2  }
0x9d: {  	[timem:s6], [sflag:s22] =	dma.local [hbm:s4], s20  }
0x9e: {  	_ =	swait.ge [sflag:s22], s20  }
0x9f: {  	s3 =	ssub.s32 $0x0, s20;
	[sflag:s22] =	ssyncset.done $0x0  }
0xa0: {  	[sflag:s22] =	ssyncadd.s32 s3;
	_ =	sdelay $0x1  }
0xa1: {  	s23 =	simm.s32 $0x1B8B  }
0xa2: {  	_ =	swait.ge [sflag:s23], $0x1  }
0xa3: {  	[sflag:s23] =	ssyncset.done $0x0  }
0xa4: {  	s25 =	simm.s32 $0x1B8E;
	s24 =	sld [smem:$0x3FFE];
	[sflag:s23] =	ssyncadd.s32 $0xFFFFFFFF  }
0xa5: {  	s26 =	simm.s32 $execute0_lowered;
	[smem:$0x3FD2] =	sst s25  }
0xa6: {  	s4 =	sshll.u32 s26, $0x1;
	_ =	strace $0x80000049;
	[dreg:$0x1] =	wrdreg $0xFFFFFFFF  }
0xa7: {  	s28 =	simm.s32 $_size_execute0_lowered;
	s2 =	sadd.s32 s2, s4;
	[dreg:$0x0] =	wrdreg $0x0  }
0xa8: {  	s4 =	sshll.u32 s28, $0x1;
	[dreg:$0x2] =	wrdreg s2  }
0xa9: {  	[dreg:$0x3] =	wrdreg s4  }
0xaa: {  	[dreg:$0x4] =	wrdreg $0xC0  }
0xab: {  	_ =	task [dreg:s6], $0x5FFFF  }
0xac: {  	[dreg:$0x1] =	wrdreg $0xFFFFFFFF  }
0xad: {  	[dreg:$0x0] =	wrdreg $0x60  }
0xae: {  	[dreg:$0x2] =	wrdreg s24  }
0xaf: {  	[dreg:$0x3] =	wrdreg $0x9  }
0xb0: {  	_ =	task.clear_ibuf [dreg:s6], $0x4FFFF;
	_ =	strace $0x90000049  }
0xb1: {  	s29 =	simm.s32 $0x9;
	_ =	strace $0x8000004B  }
0xb2: {  	_ =	swait.ge [sflag:s29], $0x1  }
0xb3: {  	[sflag:s29] =	ssyncadd.s32 $0xFFFFFFFF  }
0xb4: {  	_ =	strace $0x9000004B  }
0xb5: {  	_ =	sfence  }
0xb6: {  	s30 =	sld [smem:$0x0];
	_ =	sdelay $0x2  }
0xb7: {  	s31 =	sshll.u32 s1, $0xD;
	s1 =	sshrl.u32 s1, $0x2  }
0xb8: {  	s3 =	sand.u32 $0x4000, s31;
	s1 =	sadd.s32 s1, s30  }
0xb9: {  	s0 =	sor.u32 s3, s0;
	s1 =	sshll.u32 s1, $0x11  }
0xba: {  	s0 =	sor.u32 s1, s0  }
0xbb: {  	s0 =	sadd.s32 $0x8F2B, s0  }
0xbc: {  	[sflag:s0] =	ssyncadd.remote.s32 $0x1  }
0xbd: {  	_ =	sfence.sel $0xFFFF  }
0xbe: {  	[dreg:$0x0] =	wrdreg $0xFFFFFFFF;
	(pc) =	sbr.abs _section_cstart, $3  }
0xbf: {  	[dreg:$0x1] =	wrdreg $0xFFFFFFFF  }
0xc0: {  	_ =	task.clear_ibuf [dreg:s6], $0x2FFFF;
	_ =	strace $0x9FFFFFFF  }
0xc1: {  	(tm) =	ssettm $0x7FFFFFFF  }
tec
execute0_lowered:
.L_overlay_start_1:
0x0: {  	(tag) =	ssettag $0x1  }
0x1: {  	s0 =	srdreg.scid  }
0x2: {  	s2 =	stileid.u32;
	s1 =	rddreg [dreg:$0x0];
	s10 =	simm.s32 $0x880  }
0x3: {  	s11 =	simm.s32 $0x1080;
	s12 =	simm.s32 $0x1880;
	s13 =	simm.s32 $0x2080  }
0x4: {  	s14 =	simm.s32 $0x2880;
	s15 =	simm.s32 $0x3080;
	s16 =	simm.s32 $0x3880  }
0x5: {  	s17 =	simm.s32 $0x4080;
	s18 =	simm.s32 $0x4880;
	s19 =	simm.s32 $0x5080  }
0x6: {  	s20 =	simm.s32 $0x5880;
	s21 =	simm.s32 $0x6080;
	s22 =	simm.s32 $0x6880  }
0x7: {  	s23 =	simm.s32 $0x7080;
	s24 =	simm.s32 $0x7880;
	s28 =	simm.s32 $0x9080  }
0x8: {  	s29 =	simm.s32 $0x9880;
	s30 =	simm.s32 $0xA080;
	s31 =	simm.s32 $0xA880  }
0x9: {  	s0 =	sand.u32 $0x1, s0;
	s3 =	sshll.u32 s2, $0x1;
	s2 =	simm.s32 $0x0  }
0xa: {  	s3 =	sor.u32 s0, s3;
	[smem:$0x7FF] =	sst s2;
	s0 =	ssub.s32 $0x2, s0  }
0xb: {  	s4 =	sshll.u32 s3, $0x4;
	s5 =	smul.u32 $0x1800, s3;
	_ =	strace $0x8000004A  }
0xc: {  	s3 =	sadd.s32 $0x5600, s1;
	s7 =	sshrl.u32 s0, $0x1;
	s4 =	sadd.s32 s4, s1  }
0xd: {  	s0 =	ssub.s32 s0, s7;
	s7 =	simm.s32 $0x2;
	s6 =	sadd.s32 $0x5200, s4  }
0xe: {  	s5 =	sadd.s32 s5, s1;
	s4 =	sadd.s32 $0x5400, s4;
	[dreg:$0x2] =	wrdreg s6  }
0xf: {  	s25 =	sadd.s32 $0x95600, s5;
	[dreg:$0x4] =	wrdreg s4;
	s26 =	sadd.s32 $0xC5600, s5  }
0x10: {  	v2 =	vlaneseq.u32;
	s4 =	sadd.s32 $0x5700, s1;
	s5 =	sadd.s32 $0x5800, s1;
	s6 =	smax.u32 s0, $0x1  }
0x11: {  	vm0 =	vmmov $0xffff;
	v1 =	vshrl.u32 v2, $0x3;
	s0 =	simm.s32 $0x1;
	s1 =	simm.s32 $0x80;
	[dreg:$0x3] =	wrdreg s25  }
0x12: {  	v0 =	vand.u32 $0x7, v2;
	v2 =	vor.u32 $0x8, v2;
	v1 =	vmul.u32 $0x8, v1;
	[dreg:$0x5] =	wrdreg s26;
	s25 =	simm.s32 $0x8080;
	s26 =	simm.s32 $0x8880  }
.LBB2_1:
0x13: {  	s9 =	rddreg [dreg:$0x2]  }
0x14: {  	[tilespmem:s2], [sflag:$0x2] =	stream.linear.gather [hbm4b:s9+s2], $0x80, $0x38;
	[tilespmem:$0xC080] =	vst v63  }
0x15: {  	_ =	swait.ge [sflag:s7], $0x80  }
0x16: {  	[sflag:s7] =	ssyncset.done $0x0  }
0x17: {  	[sflag:s7] =	ssyncadd.s32 $0xFFFFFF80  }
0x18: {  	v3 =	vld [tilespmem:$0x0];
	_ =	sdelay $0x4  }
0x19: {  	v4 =	vshrl.u32 v3, $0x3  }
0x1a: {  	v4 =	vmul.u32 $0x30, v4  }
0x1b: {  	v3 =	vand.u32 $0x7, v3  }
0x1c: {  	v3 =	vor.u32 v3, v4  }
0x1d: {  	v4 =	vperm.xlane v3, v0;
	_ =	sdelay $0x1  }
0x1e: {  	v4 =	vadd.s32 v1, v4;
	_ =	sdelay $0x3  }
0x1f: {  	v3 =	vperm.xlane v3, v2  }
0x20: {  	[tilespmem:s1], [sflag:$0x1] =	stream.indirect_vreg.gather [hbm4b:s3+s2], $0x80, v4, vm0, $0xb8;
	[tilespmem:$0xC080] =	vst v63  }
0x21: {  	v3 =	vadd.s32 v1, v3  }
0x22: {  	[tilespmem:s10], [sflag:$0x1] =	stream.indirect_vreg.gather [hbm4b:s4+s2], $0x80, v4, vm0, $0xb8;
	[tilespmem:$0xC080] =	vst v63  }
0x23: {  	_ = 	snop  }
0x24: {  	[tilespmem:s11], [sflag:$0x1] =	stream.indirect_vreg.gather [hbm4b:s5+s2], $0x80, v4, vm0, $0xb8;
	[tilespmem:$0xC080] =	vst v63  }
0x25: {  	_ = 	snop  }
0x26: {  	[tilespmem:s12], [sflag:$0x1] =	stream.indirect_vreg.gather [hbm4b:s3+s2], $0x80, v3, vm0, $0xb8;
	[tilespmem:$0xC080] =	vst v63  }
0x27: {  	_ = 	snop  }
0x28: {  	[tilespmem:s13], [sflag:$0x1] =	stream.indirect_vreg.gather [hbm4b:s4+s2], $0x80, v3, vm0, $0xb8;
	[tilespmem:$0xC080] =	vst v63  }
0x29: {  	_ = 	snop  }
0x2a: {  	[tilespmem:s14], [sflag:$0x1] =	stream.indirect_vreg.gather [hbm4b:s5+s2], $0x80, v3, vm0, $0xb8;
	[tilespmem:$0xC080] =	vst v63  }
0x2b: {  	v3 =	vld [tilespmem:$0x10];
	_ =	sdelay $0x4  }
0x2c: {  	v57 =	vshrl.u32 v3, $0x3  }
0x2d: {  	v4 =	vmul.u32 $0x30, v57  }
0x2e: {  	v3 =	vand.u32 $0x7, v3  }
0x2f: {  	v3 =	vor.u32 v3, v4  }
0x30: {  	v4 =	vperm.xlane v3, v0;
	_ =	sdelay $0x1  }
0x31: {  	v4 =	vadd.s32 v1, v4;
	_ =	sdelay $0x3  }
0x32: {  	v3 =	vperm.xlane v3, v2  }
0x33: {  	[tilespmem:s15], [sflag:$0x1] =	stream.indirect_vreg.gather [hbm4b:s3+s2], $0x80, v4, vm0, $0xb8;
	[tilespmem:$0xC080] =	vst v63  }
0x34: {  	v3 =	vadd.s32 v1, v3  }
0x35: {  	[tilespmem:s16], [sflag:$0x1] =	stream.indirect_vreg.gather [hbm4b:s4+s2], $0x80, v4, vm0, $0xb8;
	[tilespmem:$0xC080] =	vst v63  }
0x36: {  	_ = 	snop  }
0x37: {  	[tilespmem:s17], [sflag:$0x1] =	stream.indirect_vreg.gather [hbm4b:s5+s2], $0x80, v4, vm0, $0xb8;
	[tilespmem:$0xC080] =	vst v63  }
0x38: {  	_ = 	snop  }
0x39: {  	[tilespmem:s18], [sflag:$0x1] =	stream.indirect_vreg.gather [hbm4b:s3+s2], $0x80, v3, vm0, $0xb8;
	[tilespmem:$0xC080] =	vst v63  }
0x3a: {  	_ = 	snop  }
0x3b: {  	[tilespmem:s19], [sflag:$0x1] =	stream.indirect_vreg.gather [hbm4b:s4+s2], $0x80, v3, vm0, $0xb8;
	[tilespmem:$0xC080] =	vst v63  }
0x3c: {  	_ = 	snop  }
0x3d: {  	[tilespmem:s20], [sflag:$0x1] =	stream.indirect_vreg.gather [hbm4b:s5+s2], $0x80, v3, vm0, $0xb8;
	[tilespmem:$0xC080] =	vst v63  }
0x3e: {  	v3 =	vld [tilespmem:$0x20];
	_ =	sdelay $0x4  }
0x3f: {  	v58 =	vshrl.u32 v3, $0x3  }
0x40: {  	v4 =	vmul.u32 $0x30, v58  }
0x41: {  	v3 =	vand.u32 $0x7, v3  }
0x42: {  	v3 =	vor.u32 v3, v4  }
0x43: {  	v4 =	vperm.xlane v3, v0;
	_ =	sdelay $0x1  }
0x44: {  	v4 =	vadd.s32 v1, v4;
	_ =	sdelay $0x3  }
0x45: {  	v3 =	vperm.xlane v3, v2  }
0x46: {  	[tilespmem:s21], [sflag:$0x1] =	stream.indirect_vreg.gather [hbm4b:s3+s2], $0x80, v4, vm0, $0xb8;
	[tilespmem:$0xC080] =	vst v63  }
0x47: {  	v3 =	vadd.s32 v1, v3  }
0x48: {  	[tilespmem:s22], [sflag:$0x1] =	stream.indirect_vreg.gather [hbm4b:s4+s2], $0x80, v4, vm0, $0xb8;
	[tilespmem:$0xC080] =	vst v63  }
0x49: {  	_ = 	snop  }
0x4a: {  	[tilespmem:s23], [sflag:$0x1] =	stream.indirect_vreg.gather [hbm4b:s5+s2], $0x80, v4, vm0, $0xb8;
	[tilespmem:$0xC080] =	vst v63  }
0x4b: {  	_ = 	snop  }
0x4c: {  	[tilespmem:s24], [sflag:$0x1] =	stream.indirect_vreg.gather [hbm4b:s3+s2], $0x80, v3, vm0, $0xb8;
	[tilespmem:$0xC080] =	vst v63  }
0x4d: {  	_ = 	snop  }
0x4e: {  	[tilespmem:s25], [sflag:$0x1] =	stream.indirect_vreg.gather [hbm4b:s4+s2], $0x80, v3, vm0, $0xb8;
	[tilespmem:$0xC080] =	vst v63  }
0x4f: {  	_ = 	snop  }
0x50: {  	[tilespmem:s26], [sflag:$0x1] =	stream.indirect_vreg.gather [hbm4b:s5+s2], $0x80, v3, vm0, $0xb8;
	[tilespmem:$0xC080] =	vst v63  }
0x51: {  	v3 =	vld [tilespmem:$0x30];
	_ =	sdelay $0x4  }
0x52: {  	v59 =	vshrl.u32 v3, $0x3  }
0x53: {  	v4 =	vmul.u32 $0x30, v59  }
0x54: {  	v3 =	vand.u32 $0x7, v3  }
0x55: {  	v3 =	vor.u32 v3, v4  }
0x56: {  	v4 =	vperm.xlane v3, v0;
	_ =	sdelay $0x1  }
0x57: {  	v4 =	vadd.s32 v1, v4;
	_ =	sdelay $0x3  }
0x58: {  	v3 =	vperm.xlane v3, v2  }
0x59: {  	[tilespmem:s28], [sflag:$0x1] =	stream.indirect_vreg.gather [hbm4b:s3+s2], $0x80, v4, vm0, $0xb8;
	[tilespmem:$0xC080] =	vst v63  }
0x5a: {  	v3 =	vadd.s32 v1, v3  }
0x5b: {  	[tilespmem:s29], [sflag:$0x1] =	stream.indirect_vreg.gather [hbm4b:s4+s2], $0x80, v4, vm0, $0xb8;
	[tilespmem:$0xC080] =	vst v63  }
0x5c: {  	_ = 	snop  }
0x5d: {  	[tilespmem:s30], [sflag:$0x1] =	stream.indirect_vreg.gather [hbm4b:s5+s2], $0x80, v4, vm0, $0xb8;
	[tilespmem:$0xC080] =	vst v63  }
0x5e: {  	_ = 	snop  }
0x5f: {  	[tilespmem:s31], [sflag:$0x1] =	stream.indirect_vreg.gather [hbm4b:s3+s2], $0x80, v3, vm0, $0xb8;
	[tilespmem:$0xC080] =	vst v63  }
0x60: {  	s8 =	simm.s32 $0xB080  }
0x61: {  	[tilespmem:s8], [sflag:$0x1] =	stream.indirect_vreg.gather [hbm4b:s4+s2], $0x80, v3, vm0, $0xb8;
	[tilespmem:$0xC080] =	vst v63  }
0x62: {  	s8 =	simm.s32 $0xB880  }
0x63: {  	[tilespmem:s8], [sflag:$0x1] =	stream.indirect_vreg.gather [hbm4b:s5+s2], $0x80, v3, vm0, $0xb8;
	[tilespmem:$0xC080] =	vst v63  }
0x64: {  	_ =	swait.ge [sflag:s0], $0xC000  }
0x65: {  	[sflag:s0] =	ssyncset.done $0x0  }
0x66: {  	s9 =	rddreg [dreg:$0x3];
	[sflag:s0] =	ssyncadd.s32 $0xFFFF4000  }
0x67: {  	[hbm4b:s9+s2] =	stream.linear.scatter [tilespmem:s1], [sflag:$0x2], $0xC000, $0x38;
	[tilespmem:$0xC080] =	vst v63  }
0x68: {  	_ =	swait.ge [sflag:s7], $0xC000  }
0x69: {  	[sflag:s7] =	ssyncset.done $0x0  }
0x6a: {  	s9 =	rddreg [dreg:$0x4];
	[sflag:s7] =	ssyncadd.s32 $0xFFFF4000  }
0x6b: {  	[tilespmem:s2], [sflag:$0x2] =	stream.linear.gather [hbm4b:s9+s2], $0x80, $0x38;
	[tilespmem:$0xC080] =	vst v63  }
0x6c: {  	_ =	swait.ge [sflag:s7], $0x80  }
0x6d: {  	[sflag:s7] =	ssyncset.done $0x0  }
0x6e: {  	[sflag:s7] =	ssyncadd.s32 $0xFFFFFF80  }
0x6f: {  	v3 =	vld [tilespmem:$0x0];
	_ =	sdelay $0x4  }
0x70: {  	v60 =	vshrl.u32 v3, $0x3  }
0x71: {  	v4 =	vmul.u32 $0x30, v60  }
0x72: {  	v3 =	vand.u32 $0x7, v3  }
0x73: {  	v3 =	vor.u32 v3, v4  }
0x74: {  	v4 =	vperm.xlane v3, v0;
	_ =	sdelay $0x1  }
0x75: {  	v4 =	vadd.s32 v1, v4;
	_ =	sdelay $0x3  }
0x76: {  	v3 =	vperm.xlane v3, v2  }
0x77: {  	[tilespmem:s1], [sflag:$0x1] =	stream.indirect_vreg.gather [hbm4b:s3+s2], $0x80, v4, vm0, $0xb8;
	[tilespmem:$0xC080] =	vst v63  }
0x78: {  	v3 =	vadd.s32 v1, v3  }
0x79: {  	[tilespmem:s10], [sflag:$0x1] =	stream.indirect_vreg.gather [hbm4b:s4+s2], $0x80, v4, vm0, $0xb8;
	[tilespmem:$0xC080] =	vst v63  }
0x7a: {  	_ = 	snop  }
0x7b: {  	[tilespmem:s11], [sflag:$0x1] =	stream.indirect_vreg.gather [hbm4b:s5+s2], $0x80, v4, vm0, $0xb8;
	[tilespmem:$0xC080] =	vst v63  }
0x7c: {  	_ = 	snop  }
0x7d: {  	[tilespmem:s12], [sflag:$0x1] =	stream.indirect_vreg.gather [hbm4b:s3+s2], $0x80, v3, vm0, $0xb8;
	[tilespmem:$0xC080] =	vst v63  }
0x7e: {  	_ = 	snop  }
0x7f: {  	[tilespmem:s13], [sflag:$0x1] =	stream.indirect_vreg.gather [hbm4b:s4+s2], $0x80, v3, vm0, $0xb8;
	[tilespmem:$0xC080] =	vst v63  }
0x80: {  	_ = 	snop  }
0x81: {  	[tilespmem:s14], [sflag:$0x1] =	stream.indirect_vreg.gather [hbm4b:s5+s2], $0x80, v3, vm0, $0xb8;
	[tilespmem:$0xC080] =	vst v63  }
0x82: {  	v3 =	vld [tilespmem:$0x10];
	_ =	sdelay $0x4  }
0x83: {  	v61 =	vshrl.u32 v3, $0x3  }
0x84: {  	v4 =	vmul.u32 $0x30, v61  }
0x85: {  	v3 =	vand.u32 $0x7, v3  }
0x86: {  	v3 =	vor.u32 v3, v4  }
0x87: {  	v4 =	vperm.xlane v3, v0;
	_ =	sdelay $0x1  }
0x88: {  	v4 =	vadd.s32 v1, v4;
	_ =	sdelay $0x3  }
0x89: {  	v3 =	vperm.xlane v3, v2  }
0x8a: {  	[tilespmem:s15], [sflag:$0x1] =	stream.indirect_vreg.gather [hbm4b:s3+s2], $0x80, v4, vm0, $0xb8;
	[tilespmem:$0xC080] =	vst v63  }
0x8b: {  	v3 =	vadd.s32 v1, v3  }
0x8c: {  	[tilespmem:s16], [sflag:$0x1] =	stream.indirect_vreg.gather [hbm4b:s4+s2], $0x80, v4, vm0, $0xb8;
	[tilespmem:$0xC080] =	vst v63  }
0x8d: {  	_ = 	snop  }
0x8e: {  	[tilespmem:s17], [sflag:$0x1] =	stream.indirect_vreg.gather [hbm4b:s5+s2], $0x80, v4, vm0, $0xb8;
	[tilespmem:$0xC080] =	vst v63  }
0x8f: {  	_ = 	snop  }
0x90: {  	[tilespmem:s18], [sflag:$0x1] =	stream.indirect_vreg.gather [hbm4b:s3+s2], $0x80, v3, vm0, $0xb8;
	[tilespmem:$0xC080] =	vst v63  }
0x91: {  	_ = 	snop  }
0x92: {  	[tilespmem:s19], [sflag:$0x1] =	stream.indirect_vreg.gather [hbm4b:s4+s2], $0x80, v3, vm0, $0xb8;
	[tilespmem:$0xC080] =	vst v63  }
0x93: {  	_ = 	snop  }
0x94: {  	[tilespmem:s20], [sflag:$0x1] =	stream.indirect_vreg.gather [hbm4b:s5+s2], $0x80, v3, vm0, $0xb8;
	[tilespmem:$0xC080] =	vst v63  }
0x95: {  	v3 =	vld [tilespmem:$0x20];
	_ =	sdelay $0x4  }
0x96: {  	v62 =	vshrl.u32 v3, $0x3  }
0x97: {  	v4 =	vmul.u32 $0x30, v62  }
0x98: {  	v3 =	vand.u32 $0x7, v3  }
0x99: {  	v3 =	vor.u32 v3, v4  }
0x9a: {  	v4 =	vperm.xlane v3, v0;
	_ =	sdelay $0x1  }
0x9b: {  	v4 =	vadd.s32 v1, v4;
	_ =	sdelay $0x3  }
0x9c: {  	v3 =	vperm.xlane v3, v2  }
0x9d: {  	[tilespmem:s21], [sflag:$0x1] =	stream.indirect_vreg.gather [hbm4b:s3+s2], $0x80, v4, vm0, $0xb8;
	[tilespmem:$0xC080] =	vst v63  }
0x9e: {  	v3 =	vadd.s32 v1, v3  }
0x9f: {  	[tilespmem:s22], [sflag:$0x1] =	stream.indirect_vreg.gather [hbm4b:s4+s2], $0x80, v4, vm0, $0xb8;
	[tilespmem:$0xC080] =	vst v63  }
0xa0: {  	_ = 	snop  }
0xa1: {  	[tilespmem:s23], [sflag:$0x1] =	stream.indirect_vreg.gather [hbm4b:s5+s2], $0x80, v4, vm0, $0xb8;
	[tilespmem:$0xC080] =	vst v63  }
0xa2: {  	_ = 	snop  }
0xa3: {  	[tilespmem:s24], [sflag:$0x1] =	stream.indirect_vreg.gather [hbm4b:s3+s2], $0x80, v3, vm0, $0xb8;
	[tilespmem:$0xC080] =	vst v63  }
0xa4: {  	_ = 	snop  }
0xa5: {  	[tilespmem:s25], [sflag:$0x1] =	stream.indirect_vreg.gather [hbm4b:s4+s2], $0x80, v3, vm0, $0xb8;
	[tilespmem:$0xC080] =	vst v63  }
0xa6: {  	_ = 	snop  }
0xa7: {  	[tilespmem:s26], [sflag:$0x1] =	stream.indirect_vreg.gather [hbm4b:s5+s2], $0x80, v3, vm0, $0xb8;
	[tilespmem:$0xC080] =	vst v63  }
0xa8: {  	v3 =	vld [tilespmem:$0x30];
	_ =	sdelay $0x4  }
0xa9: {  	v63 =	vshrl.u32 v3, $0x3  }
0xaa: {  	v4 =	vmul.u32 $0x30, v63  }
0xab: {  	v3 =	vand.u32 $0x7, v3  }
0xac: {  	v3 =	vor.u32 v3, v4  }
0xad: {  	v4 =	vperm.xlane v3, v0;
	_ =	sdelay $0x1  }
0xae: {  	v4 =	vadd.s32 v1, v4;
	_ =	sdelay $0x3  }
0xaf: {  	v3 =	vperm.xlane v3, v2  }
0xb0: {  	[tilespmem:s28], [sflag:$0x1] =	stream.indirect_vreg.gather [hbm4b:s3+s2], $0x80, v4, vm0, $0xb8;
	[tilespmem:$0xC080] =	vst v63  }
0xb1: {  	v3 =	vadd.s32 v1, v3  }
0xb2: {  	[tilespmem:s29], [sflag:$0x1] =	stream.indirect_vreg.gather [hbm4b:s4+s2], $0x80, v4, vm0, $0xb8;
	[tilespmem:$0xC080] =	vst v63  }
0xb3: {  	_ = 	snop  }
0xb4: {  	[tilespmem:s30], [sflag:$0x1] =	stream.indirect_vreg.gather [hbm4b:s5+s2], $0x80, v4, vm0, $0xb8;
	[tilespmem:$0xC080] =	vst v63  }
0xb5: {  	_ = 	snop  }
0xb6: {  	[tilespmem:s31], [sflag:$0x1] =	stream.indirect_vreg.gather [hbm4b:s3+s2], $0x80, v3, vm0, $0xb8;
	[tilespmem:$0xC080] =	vst v63  }
0xb7: {  	s9 =	simm.s32 $0xB080  }
0xb8: {  	[tilespmem:s9], [sflag:$0x1] =	stream.indirect_vreg.gather [hbm4b:s4+s2], $0x80, v3, vm0, $0xb8;
	[tilespmem:$0xC080] =	vst v63  }
0xb9: {  	_ = 	snop  }
0xba: {  	[tilespmem:s8], [sflag:$0x1] =	stream.indirect_vreg.gather [hbm4b:s5+s2], $0x80, v3, vm0, $0xb8;
	[tilespmem:$0xC080] =	vst v63  }
0xbb: {  	_ =	swait.ge [sflag:s0], $0xC000  }
0xbc: {  	p0 =	sne.s32 s6, $0x1;
	[sflag:s0] =	ssyncset.done $0x0  }
.Ltmp0:
0xbd: {  	s8 =	rddreg [dreg:$0x5];
	[sflag:s0] =	ssyncadd.s32 $0xFFFF4000;
	(pc) =	sbr.rel @p0 .LBB2_1-.Ltmp0, $4  }
0xbe: {  	[hbm4b:s8+s2] =	stream.linear.scatter [tilespmem:s1], [sflag:$0x2], $0xC000, $0x38;
	[tilespmem:$0xC080] =	vst v63  }
0xbf: {  	_ =	swait.ge [sflag:s7], $0xC000  }
0xc0: {  	[sflag:s7] =	ssyncset.done $0x0  }
0xc1: {  	s6 =	sadd.s32 $0xFFFFFFFF, s6;
	[sflag:s7] =	ssyncadd.s32 $0xFFFF4000  }
0xc2: {  	_ =	sfence.sel $0x180000  }
0xc3: {  	[bflag:$0x0] =	sbarrier.arrive $0xFFFF  }
0xc4: {  	_ =	strace $0x9000004A  }
0xc5: {  	s0 =	stileid.u32;
	[bflag:$0x2] =	sbarrier.arrive $0xFFFF  }
0xc6: {  	p0 =	sne.s32 s0, $0x0;
	s0 =	rddreg [dreg:$0x1]  }
0xc7: {  	s0 =	sadd.s32 @!p0 $0x100000, s0  }
0xc8: {  	[sflag:s0] =	ssyncadd.tile.s32 @!p0 $0x1;
	_ =	shalt  }
.Lfunc_end2:
_tile_overlayer_lowered:
.L_overlay_start_2:
0xc9: {  	(tag) =	ssettag $0x2  }
0xca: {  	s0 =	rddreg [dreg:$0x0];
	s2 =	stileid.u32  }
0xcb: {  	s1 =	rddreg [dreg:$0x1];
	p0 =	sne.s32 s2, $0x0  }
0xcc: {  	s3 =	rddreg [dreg:$0x2];
	[bflag:$0x3] =	sbarrier.arrive $0xFFFF;
	s2 =	simm.s32 @!p0 $0x1C02  }
0xcd: {  	[timem:s3], [sflag:s2] =	dma.local @!p0 [hbm:s0], s1  }
0xce: {  	s0 =	simm.s32 @!p0 $0x2  }
0xcf: {  	_ =	swait.ge @!p0 [sflag:s0], s1  }
0xd0: {  	s1 =	ssub.s32 @!p0 $0x0, s1;
	[sflag:s0] =	ssyncset.done @!p0 $0x0  }
0xd1: {  	[sflag:s0] =	ssyncadd.s32 @!p0 s1  }
0xd2: {  	[bflag:$0x3] =	sbarrier.arrive $0xFFFF  }
0xd3: {  	_ =	shalt  }

</sc_bundles>
